<compile_context>
chip_gen: v7x
topology: tpu7x:2x2x1
jax: 0.10.2.dev20260603
libtpu: 0.0.44.dev20260713+nightly
codegen_flags: <defaults>
</compile_context>

<pallas_src>
import functools

import jax
import jax.numpy as jnp
from jax import lax
from jax.experimental import pallas as pl
from jax.experimental.pallas import tpu as pltpu
from jax.experimental.pallas import tpu_sc as plsc

BATCH = 4096
HIST_LEN = 200
VOCAB = 1000000
EMBED_DIM = 64
HALF = EMBED_DIM // 2
NC = 2
NS = 16
NW = NC * NS
ROWS_PW = BATCH // NW
RPC = 2
N_CHUNKS = ROWS_PW // RPC
SUB0 = 128
SUB1 = HIST_LEN - SUB0


def _make_gather():
    mesh = plsc.VectorSubcoreMesh(core_axis_name="c", subcore_axis_name="s")

    @functools.partial(
        pl.kernel,
        out_type=jax.ShapeDtypeStruct((BATCH, HIST_LEN, EMBED_DIM), jnp.float32),
        mesh=mesh,
        scratch_types=[
            pltpu.VMEM((ROWS_PW, HIST_LEN), jnp.int32),
            pltpu.VMEM((2, 2, RPC, HIST_LEN, HALF), jnp.float32),
            pltpu.SemaphoreType.DMA,
            pltpu.SemaphoreType.DMA,
            pltpu.SemaphoreType.DMA,
            pltpu.SemaphoreType.DMA,
            pltpu.SemaphoreType.DMA,
        ],
        compiler_params=pltpu.CompilerParams(use_tc_tiling_on_sc=False),
    )
    def gather_kernel(taba_hbm, tabb_hbm, q_hbm, out_hbm, idx_v, rows_v,
                      gsem, wa0, wa1, wb0, wb1):
        wid = lax.axis_index("s") * NC + lax.axis_index("c")
        base_row = wid * ROWS_PW
        pltpu.sync_copy(q_hbm.at[pl.ds(base_row, ROWS_PW)], idx_v)

        wsems = ((wa0, wb0), (wa1, wb1))
        tabs = (taba_hbm, tabb_hbm)

        def do_chunk(c, b, first):
            wbs = []
            for h in range(2):
                wbs.append(pltpu.make_async_copy(
                    rows_v.at[b, h],
                    out_hbm.at[pl.ds(base_row + c * RPC, RPC), :,
                               pl.ds(h * HALF, HALF)],
                    wsems[b][h],
                ))
            if not first:
                for wb in wbs:
                    wb.wait()
            cps = []
            for rr in range(RPC):
                r = c * RPC + rr
                for h in range(2):
                    cps.append(pltpu.async_copy(
                        tabs[h].at[idx_v.at[r, pl.ds(0, SUB0)]],
                        rows_v.at[b, h, rr, pl.ds(0, SUB0)],
                        gsem,
                    ))
                    cps.append(pltpu.async_copy(
                        tabs[h].at[idx_v.at[r, pl.ds(SUB0, SUB1)]],
                        rows_v.at[b, h, rr, pl.ds(SUB0, SUB1)],
                        gsem,
                    ))
            for cp in cps:
                cp.wait()
            for wb in wbs:
                wb.start()

        def pair_body(p, carry):
            for b in range(2):
                do_chunk(p * 2 + b, b, first=False)
            return carry

        for b in range(2):
            do_chunk(b, b, first=True)
        lax.fori_loop(1, N_CHUNKS // 2, pair_body, 0)
        for b in range(2):
            for h in range(2):
                pltpu.make_async_copy(
                    rows_v.at[b, h],
                    out_hbm.at[pl.ds(base_row, RPC), :, pl.ds(h * HALF, HALF)],
                    wsems[b][h],
                ).wait()

    return gather_kernel


_gather = _make_gather()


@jax.jit
def kernel(questions, embedding_weights):
    return _gather(
        embedding_weights[:, :HALF],
        embedding_weights[:, HALF:],
        questions.astype(jnp.int32),
    )

# --- scband reference (transcript-rebuilt; emitter-appended) ---
"""Pipeline reference for scband-dan-embedding-45973329936581 (READ-ONLY COPY).

The authoritative reference and input builder live on the scoring server;
editing this copy changes nothing except your own understanding.
"""

import jax, jax.numpy as jnp
import numpy as np

BATCH = 4096
HIST_LEN = 200
VOCAB = 1000000
EMBED_DIM = 64

def setup_inputs(seed: int = 0) -> dict:
    key = jax.random.key(seed)
    k_idx, k_tab = jax.random.split(key)
    questions = jax.random.randint(k_idx, (BATCH, HIST_LEN), 0, VOCAB, dtype=jnp.int64 if jax.config.read('jax_enable_x64') else jnp.int32)
    embedding_weights = jax.random.normal(k_tab, (VOCAB, EMBED_DIM), dtype=jnp.float32)
    # pad row (index 0) is zeros, matching the original module's <PAD> vector
    embedding_weights = embedding_weights.at[0].set(0.0)
    return {"questions": questions, "embedding_weights": embedding_weights}

def reference(questions, embedding_weights):
    # DanEmbedding.forward: self.embed(questions) -> pure embedding lookup
    return jnp.take(embedding_weights, questions, axis=0)

if __name__ == "__main__":
    import jax
    _d = setup_inputs()
    print(jax.jit(kernel)(*tuple(_d.values())))

</pallas_src>

<mosaic_0001>
#map = affine_map<(d0, d1) -> (0, 0)>
#map1 = affine_map<(d0, d1) -> (0, 0, 0)>
module attributes {stable_mosaic.version = 14 : i64} {
  func.func @gather_kernel(%arg0: i32, %arg1: i32, %arg2: memref<1000000x32xf32, #tpu.memory_space<hbm>>, %arg3: memref<1000000x32xf32, #tpu.memory_space<hbm>>, %arg4: memref<4096x200xi32, #tpu.memory_space<hbm>>, %arg5: memref<4096x200x64xf32, #tpu.memory_space<hbm>>, %arg6: memref<128x200xi32, #tpu.memory_space<vmem>>, %arg7: memref<2x2x2x200x32xf32, #tpu.memory_space<vmem>>, %arg8: memref<!tpu.dma_semaphore, #tpu.memory_space<semaphore_mem>>, %arg9: memref<!tpu.dma_semaphore, #tpu.memory_space<semaphore_mem>>, %arg10: memref<!tpu.dma_semaphore, #tpu.memory_space<semaphore_mem>>, %arg11: memref<!tpu.dma_semaphore, #tpu.memory_space<semaphore_mem>>, %arg12: memref<!tpu.dma_semaphore, #tpu.memory_space<semaphore_mem>>) attributes {dimension_semantics = [#tpu.dimension_semantics<core_parallel>, #tpu.dimension_semantics<subcore_parallel>], iteration_bounds = array<i64: 2, 16>, scalar_prefetch = 0 : i64, scratch_operands = 7 : i64, tpu.core_type = #tpu.core_type<sc_vector_subcore>, window_params = [{transform_indices = #map}, {transform_indices = #map}, {transform_indices = #map}, {transform_indices = #map1}]} {
    %mul3A = arith.constant 2 : i32
    %mul3A_0 = arith.muli %arg1, %mul3A : i32
    %add3A = arith.addi %mul3A_0, %arg0 : i32
    %mul3A_1 = arith.constant 128 : i32
    %mul3A_2 = arith.muli %add3A, %mul3A_1 : i32
    "tpu.region"() ({
      %run_scoped3A = tpu.sem_alloc : memref<!tpu.dma_semaphore, #tpu.memory_space<semaphore_mem>>
      %dma_start3A_606 = arith.constant 0 : i32
      %dma_start3A_607 = tpu.memref_slice %arg4[%mul3A_2, %dma_start3A_606] : memref<4096x200xi32, #tpu.memory_space<hbm>> -> memref<128x200xi32, #tpu.memory_space<hbm>>
      %dma_start3A_608 = arith.constant 0 : i32
      %dma_start3A_609 = tpu.memref_slice %arg4[%mul3A_2, %dma_start3A_608] : memref<4096x200xi32, #tpu.memory_space<hbm>> -> memref<128x200xi32, #tpu.memory_space<hbm>>
      tpu.enqueue_dma source(%dma_start3A_609 : memref<128x200xi32, #tpu.memory_space<hbm>>) target(%arg6 : memref<128x200xi32, #tpu.memory_space<vmem>>) target_semaphore(%run_scoped3A : memref<!tpu.dma_semaphore, #tpu.memory_space<semaphore_mem>>)
      %dma_wait3A_610 = arith.constant 0 : i32
      %dma_wait3A_611 = tpu.memref_slice %arg4[%mul3A_2, %dma_wait3A_610] : memref<4096x200xi32, #tpu.memory_space<hbm>> -> memref<128x200xi32, #tpu.memory_space<hbm>>
      %dma_wait3A_612 = arith.constant 0 : i32
      %dma_wait3A_613 = tpu.memref_slice %arg4[%mul3A_2, %dma_wait3A_612] : memref<4096x200xi32, #tpu.memory_space<hbm>> -> memref<128x200xi32, #tpu.memory_space<hbm>>
      tpu.wait_dma2 semaphore(%run_scoped3A : memref<!tpu.dma_semaphore, #tpu.memory_space<semaphore_mem>>) src(%dma_wait3A_613 : memref<128x200xi32, #tpu.memory_space<hbm>>) dst(%arg6 : memref<128x200xi32, #tpu.memory_space<vmem>>)
      tpu.yield
    }) : () -> ()
    %add3A_3 = arith.constant 0 : i32
    %add3A_4 = arith.addi %mul3A_2, %add3A_3 : i32
    %add3A_5 = arith.constant 0 : i32
    %add3A_6 = arith.addi %mul3A_2, %add3A_5 : i32
    %dma_start3A = arith.constant 0 : i32
    %dma_start3A_7 = arith.constant 0 : i32
    %dma_start3A_8 = arith.constant 0 : i32
    %dma_start3A_9 = arith.constant 0 : i32
    %dma_start3A_10 = arith.constant 0 : i32
    %dma_start3A_11 = arith.constant 0 : i32
    %dma_start3A_12 = tpu.memref_slice %arg7[%dma_start3A_7, %dma_start3A_8, %dma_start3A_9, %dma_start3A_10, %dma_start3A_11] : memref<2x2x2x200x32xf32, #tpu.memory_space<vmem>> -> memref<1x1x1x128x32xf32, #tpu.memory_space<vmem>>
    %dma_start3A_13 = tpu.memref_squeeze %dma_start3A_12 : memref<1x1x1x128x32xf32, #tpu.memory_space<vmem>> -> memref<128x32xf32, #tpu.memory_space<vmem>>
    %dma_start3A_14 = arith.constant 0 : i32
    %dma_start3A_15 = tpu.memref_slice %arg6[%dma_start3A, %dma_start3A_14] : memref<128x200xi32, #tpu.memory_space<vmem>> -> memref<1x128xi32, #tpu.memory_space<vmem>>
    %dma_start3A_16 = tpu.memref_squeeze %dma_start3A_15 : memref<1x128xi32, #tpu.memory_space<vmem>> -> memref<128xi32, #tpu.memory_space<vmem>>
    %dma_start3A_17 = arith.constant 0 : i32
    %dma_start3A_18 = arith.constant 0 : i32
    %dma_start3A_19 = tpu.memref_slice %arg2[%dma_start3A_17, %dma_start3A_18] : memref<1000000x32xf32, #tpu.memory_space<hbm>> -> memref<1000000x32xf32, #tpu.memory_space<hbm>>
    tpu.enqueue_indirect_dma source(%dma_start3A_19 : memref<1000000x32xf32, #tpu.memory_space<hbm>>) target(%dma_start3A_13 : memref<128x32xf32, #tpu.memory_space<vmem>>) offsets(%dma_start3A_16 : memref<128xi32, #tpu.memory_space<vmem>>) semaphore(%arg8 : memref<!tpu.dma_semaphore, #tpu.memory_space<semaphore_mem>>)
    %dma_start3A_20 = arith.constant 0 : i32
    %dma_start3A_21 = arith.constant 0 : i32
    %dma_start3A_22 = arith.constant 0 : i32
    %dma_start3A_23 = arith.constant 0 : i32
    %dma_start3A_24 = arith.constant 128 : i32
    %dma_start3A_25 = arith.constant 0 : i32
    %dma_start3A_26 = tpu.memref_slice %arg7[%dma_start3A_21, %dma_start3A_22, %dma_start3A_23, %dma_start3A_24, %dma_start3A_25] : memref<2x2x2x200x32xf32, #tpu.memory_space<vmem>> -> memref<1x1x1x72x32xf32, #tpu.memory_space<vmem>>
    %dma_start3A_27 = tpu.memref_squeeze %dma_start3A_26 : memref<1x1x1x72x32xf32, #tpu.memory_space<vmem>> -> memref<72x32xf32, #tpu.memory_space<vmem>>
    %dma_start3A_28 = arith.constant 128 : i32
    %dma_start3A_29 = tpu.memref_slice %arg6[%dma_start3A_20, %dma_start3A_28] : memref<128x200xi32, #tpu.memory_space<vmem>> -> memref<1x72xi32, #tpu.memory_space<vmem>>
    %dma_start3A_30 = tpu.memref_squeeze %dma_start3A_29 : memref<1x72xi32, #tpu.memory_space<vmem>> -> memref<72xi32, #tpu.memory_space<vmem>>
    %dma_start3A_31 = arith.constant 0 : i32
    %dma_start3A_32 = arith.constant 0 : i32
    %dma_start3A_33 = tpu.memref_slice %arg2[%dma_start3A_31, %dma_start3A_32] : memref<1000000x32xf32, #tpu.memory_space<hbm>> -> memref<1000000x32xf32, #tpu.memory_space<hbm>>
    tpu.enqueue_indirect_dma source(%dma_start3A_33 : memref<1000000x32xf32, #tpu.memory_space<hbm>>) target(%dma_start3A_27 : memref<72x32xf32, #tpu.memory_space<vmem>>) offsets(%dma_start3A_30 : memref<72xi32, #tpu.memory_space<vmem>>) semaphore(%arg8 : memref<!tpu.dma_semaphore, #tpu.memory_space<semaphore_mem>>)
    %dma_start3A_34 = arith.constant 0 : i32
    %dma_start3A_35 = arith.constant 0 : i32
    %dma_start3A_36 = arith.constant 1 : i32
    %dma_start3A_37 = arith.constant 0 : i32
    %dma_start3A_38 = arith.constant 0 : i32
    %dma_start3A_39 = arith.constant 0 : i32
    %dma_start3A_40 = tpu.memref_slice %arg7[%dma_start3A_35, %dma_start3A_36, %dma_start3A_37, %dma_start3A_38, %dma_start3A_39] : memref<2x2x2x200x32xf32, #tpu.memory_space<vmem>> -> memref<1x1x1x128x32xf32, #tpu.memory_space<vmem>>
    %dma_start3A_41 = tpu.memref_squeeze %dma_start3A_40 : memref<1x1x1x128x32xf32, #tpu.memory_space<vmem>> -> memref<128x32xf32, #tpu.memory_space<vmem>>
    %dma_start3A_42 = arith.constant 0 : i32
    %dma_start3A_43 = tpu.memref_slice %arg6[%dma_start3A_34, %dma_start3A_42] : memref<128x200xi32, #tpu.memory_space<vmem>> -> memref<1x128xi32, #tpu.memory_space<vmem>>
    %dma_start3A_44 = tpu.memref_squeeze %dma_start3A_43 : memref<1x128xi32, #tpu.memory_space<vmem>> -> memref<128xi32, #tpu.memory_space<vmem>>
    %dma_start3A_45 = arith.constant 0 : i32
    %dma_start3A_46 = arith.constant 0 : i32
    %dma_start3A_47 = tpu.memref_slice %arg3[%dma_start3A_45, %dma_start3A_46] : memref<1000000x32xf32, #tpu.memory_space<hbm>> -> memref<1000000x32xf32, #tpu.memory_space<hbm>>
    tpu.enqueue_indirect_dma source(%dma_start3A_47 : memref<1000000x32xf32, #tpu.memory_space<hbm>>) target(%dma_start3A_41 : memref<128x32xf32, #tpu.memory_space<vmem>>) offsets(%dma_start3A_44 : memref<128xi32, #tpu.memory_space<vmem>>) semaphore(%arg8 : memref<!tpu.dma_semaphore, #tpu.memory_space<semaphore_mem>>)
    %dma_start3A_48 = arith.constant 0 : i32
    %dma_start3A_49 = arith.constant 0 : i32
    %dma_start3A_50 = arith.constant 1 : i32
    %dma_start3A_51 = arith.constant 0 : i32
    %dma_start3A_52 = arith.constant 128 : i32
    %dma_start3A_53 = arith.constant 0 : i32
    %dma_start3A_54 = tpu.memref_slice %arg7[%dma_start3A_49, %dma_start3A_50, %dma_start3A_51, %dma_start3A_52, %dma_start3A_53] : memref<2x2x2x200x32xf32, #tpu.memory_space<vmem>> -> memref<1x1x1x72x32xf32, #tpu.memory_space<vmem>>
    %dma_start3A_55 = tpu.memref_squeeze %dma_start3A_54 : memref<1x1x1x72x32xf32, #tpu.memory_space<vmem>> -> memref<72x32xf32, #tpu.memory_space<vmem>>
    %dma_start3A_56 = arith.constant 128 : i32
    %dma_start3A_57 = tpu.memref_slice %arg6[%dma_start3A_48, %dma_start3A_56] : memref<128x200xi32, #tpu.memory_space<vmem>> -> memref<1x72xi32, #tpu.memory_space<vmem>>
    %dma_start3A_58 = tpu.memref_squeeze %dma_start3A_57 : memref<1x72xi32, #tpu.memory_space<vmem>> -> memref<72xi32, #tpu.memory_space<vmem>>
    %dma_start3A_59 = arith.constant 0 : i32
    %dma_start3A_60 = arith.constant 0 : i32
    %dma_start3A_61 = tpu.memref_slice %arg3[%dma_start3A_59, %dma_start3A_60] : memref<1000000x32xf32, #tpu.memory_space<hbm>> -> memref<1000000x32xf32, #tpu.memory_space<hbm>>
    tpu.enqueue_indirect_dma source(%dma_start3A_61 : memref<1000000x32xf32, #tpu.memory_space<hbm>>) target(%dma_start3A_55 : memref<72x32xf32, #tpu.memory_space<vmem>>) offsets(%dma_start3A_58 : memref<72xi32, #tpu.memory_space<vmem>>) semaphore(%arg8 : memref<!tpu.dma_semaphore, #tpu.memory_space<semaphore_mem>>)
    %dma_start3A_62 = arith.constant 1 : i32
    %dma_start3A_63 = arith.constant 0 : i32
    %dma_start3A_64 = arith.constant 0 : i32
    %dma_start3A_65 = arith.constant 1 : i32
    %dma_start3A_66 = arith.constant 0 : i32
    %dma_start3A_67 = arith.constant 0 : i32
    %dma_start3A_68 = tpu.memref_slice %arg7[%dma_start3A_63, %dma_start3A_64, %dma_start3A_65, %dma_start3A_66, %dma_start3A_67] : memref<2x2x2x200x32xf32, #tpu.memory_space<vmem>> -> memref<1x1x1x128x32xf32, #tpu.memory_space<vmem>>
    %dma_start3A_69 = tpu.memref_squeeze %dma_start3A_68 : memref<1x1x1x128x32xf32, #tpu.memory_space<vmem>> -> memref<128x32xf32, #tpu.memory_space<vmem>>
    %dma_start3A_70 = arith.constant 0 : i32
    %dma_start3A_71 = tpu.memref_slice %arg6[%dma_start3A_62, %dma_start3A_70] : memref<128x200xi32, #tpu.memory_space<vmem>> -> memref<1x128xi32, #tpu.memory_space<vmem>>
    %dma_start3A_72 = tpu.memref_squeeze %dma_start3A_71 : memref<1x128xi32, #tpu.memory_space<vmem>> -> memref<128xi32, #tpu.memory_space<vmem>>
    %dma_start3A_73 = arith.constant 0 : i32
    %dma_start3A_74 = arith.constant 0 : i32
    %dma_start3A_75 = tpu.memref_slice %arg2[%dma_start3A_73, %dma_start3A_74] : memref<1000000x32xf32, #tpu.memory_space<hbm>> -> memref<1000000x32xf32, #tpu.memory_space<hbm>>
    tpu.enqueue_indirect_dma source(%dma_start3A_75 : memref<1000000x32xf32, #tpu.memory_space<hbm>>) target(%dma_start3A_69 : memref<128x32xf32, #tpu.memory_space<vmem>>) offsets(%dma_start3A_72 : memref<128xi32, #tpu.memory_space<vmem>>) semaphore(%arg8 : memref<!tpu.dma_semaphore, #tpu.memory_space<semaphore_mem>>)
    %dma_start3A_76 = arith.constant 1 : i32
    %dma_start3A_77 = arith.constant 0 : i32
    %dma_start3A_78 = arith.constant 0 : i32
    %dma_start3A_79 = arith.constant 1 : i32
    %dma_start3A_80 = arith.constant 128 : i32
    %dma_start3A_81 = arith.constant 0 : i32
    %dma_start3A_82 = tpu.memref_slice %arg7[%dma_start3A_77, %dma_start3A_78, %dma_start3A_79, %dma_start3A_80, %dma_start3A_81] : memref<2x2x2x200x32xf32, #tpu.memory_space<vmem>> -> memref<1x1x1x72x32xf32, #tpu.memory_space<vmem>>
    %dma_start3A_83 = tpu.memref_squeeze %dma_start3A_82 : memref<1x1x1x72x32xf32, #tpu.memory_space<vmem>> -> memref<72x32xf32, #tpu.memory_space<vmem>>
    %dma_start3A_84 = arith.constant 128 : i32
    %dma_start3A_85 = tpu.memref_slice %arg6[%dma_start3A_76, %dma_start3A_84] : memref<128x200xi32, #tpu.memory_space<vmem>> -> memref<1x72xi32, #tpu.memory_space<vmem>>
    %dma_start3A_86 = tpu.memref_squeeze %dma_start3A_85 : memref<1x72xi32, #tpu.memory_space<vmem>> -> memref<72xi32, #tpu.memory_space<vmem>>
    %dma_start3A_87 = arith.constant 0 : i32
    %dma_start3A_88 = arith.constant 0 : i32
    %dma_start3A_89 = tpu.memref_slice %arg2[%dma_start3A_87, %dma_start3A_88] : memref<1000000x32xf32, #tpu.memory_space<hbm>> -> memref<1000000x32xf32, #tpu.memory_space<hbm>>
    tpu.enqueue_indirect_dma source(%dma_start3A_89 : memref<1000000x32xf32, #tpu.memory_space<hbm>>) target(%dma_start3A_83 : memref<72x32xf32, #tpu.memory_space<vmem>>) offsets(%dma_start3A_86 : memref<72xi32, #tpu.memory_space<vmem>>) semaphore(%arg8 : memref<!tpu.dma_semaphore, #tpu.memory_space<semaphore_mem>>)
    %dma_start3A_90 = arith.constant 1 : i32
    %dma_start3A_91 = arith.constant 0 : i32
    %dma_start3A_92 = arith.constant 1 : i32
    %dma_start3A_93 = arith.constant 1 : i32
    %dma_start3A_94 = arith.constant 0 : i32
    %dma_start3A_95 = arith.constant 0 : i32
    %dma_start3A_96 = tpu.memref_slice %arg7[%dma_start3A_91, %dma_start3A_92, %dma_start3A_93, %dma_start3A_94, %dma_start3A_95] : memref<2x2x2x200x32xf32, #tpu.memory_space<vmem>> -> memref<1x1x1x128x32xf32, #tpu.memory_space<vmem>>
    %dma_start3A_97 = tpu.memref_squeeze %dma_start3A_96 : memref<1x1x1x128x32xf32, #tpu.memory_space<vmem>> -> memref<128x32xf32, #tpu.memory_space<vmem>>
    %dma_start3A_98 = arith.constant 0 : i32
    %dma_start3A_99 = tpu.memref_slice %arg6[%dma_start3A_90, %dma_start3A_98] : memref<128x200xi32, #tpu.memory_space<vmem>> -> memref<1x128xi32, #tpu.memory_space<vmem>>
    %dma_start3A_100 = tpu.memref_squeeze %dma_start3A_99 : memref<1x128xi32, #tpu.memory_space<vmem>> -> memref<128xi32, #tpu.memory_space<vmem>>
    %dma_start3A_101 = arith.constant 0 : i32
    %dma_start3A_102 = arith.constant 0 : i32
    %dma_start3A_103 = tpu.memref_slice %arg3[%dma_start3A_101, %dma_start3A_102] : memref<1000000x32xf32, #tpu.memory_space<hbm>> -> memref<1000000x32xf32, #tpu.memory_space<hbm>>
    tpu.enqueue_indirect_dma source(%dma_start3A_103 : memref<1000000x32xf32, #tpu.memory_space<hbm>>) target(%dma_start3A_97 : memref<128x32xf32, #tpu.memory_space<vmem>>) offsets(%dma_start3A_100 : memref<128xi32, #tpu.memory_space<vmem>>) semaphore(%arg8 : memref<!tpu.dma_semaphore, #tpu.memory_space<semaphore_mem>>)
    %dma_start3A_104 = arith.constant 1 : i32
    %dma_start3A_105 = arith.constant 0 : i32
    %dma_start3A_106 = arith.constant 1 : i32
    %dma_start3A_107 = arith.constant 1 : i32
    %dma_start3A_108 = arith.constant 128 : i32
    %dma_start3A_109 = arith.constant 0 : i32
    %dma_start3A_110 = tpu.memref_slice %arg7[%dma_start3A_105, %dma_start3A_106, %dma_start3A_107, %dma_start3A_108, %dma_start3A_109] : memref<2x2x2x200x32xf32, #tpu.memory_space<vmem>> -> memref<1x1x1x72x32xf32, #tpu.memory_space<vmem>>
    %dma_start3A_111 = tpu.memref_squeeze %dma_start3A_110 : memref<1x1x1x72x32xf32, #tpu.memory_space<vmem>> -> memref<72x32xf32, #tpu.memory_space<vmem>>
    %dma_start3A_112 = arith.constant 128 : i32
    %dma_start3A_113 = tpu.memref_slice %arg6[%dma_start3A_104, %dma_start3A_112] : memref<128x200xi32, #tpu.memory_space<vmem>> -> memref<1x72xi32, #tpu.memory_space<vmem>>
    %dma_start3A_114 = tpu.memref_squeeze %dma_start3A_113 : memref<1x72xi32, #tpu.memory_space<vmem>> -> memref<72xi32, #tpu.memory_space<vmem>>
    %dma_start3A_115 = arith.constant 0 : i32
    %dma_start3A_116 = arith.constant 0 : i32
    %dma_start3A_117 = tpu.memref_slice %arg3[%dma_start3A_115, %dma_start3A_116] : memref<1000000x32xf32, #tpu.memory_space<hbm>> -> memref<1000000x32xf32, #tpu.memory_space<hbm>>
    tpu.enqueue_indirect_dma source(%dma_start3A_117 : memref<1000000x32xf32, #tpu.memory_space<hbm>>) target(%dma_start3A_111 : memref<72x32xf32, #tpu.memory_space<vmem>>) offsets(%dma_start3A_114 : memref<72xi32, #tpu.memory_space<vmem>>) semaphore(%arg8 : memref<!tpu.dma_semaphore, #tpu.memory_space<semaphore_mem>>)
    %dma_wait3A = arith.constant 0 : i32
    %dma_wait3A_118 = arith.constant 0 : i32
    %dma_wait3A_119 = arith.constant 0 : i32
    %dma_wait3A_120 = arith.constant 0 : i32
    %dma_wait3A_121 = arith.constant 0 : i32
    %dma_wait3A_122 = arith.constant 0 : i32
    %dma_wait3A_123 = tpu.memref_slice %arg7[%dma_wait3A_118, %dma_wait3A_119, %dma_wait3A_120, %dma_wait3A_121, %dma_wait3A_122] : memref<2x2x2x200x32xf32, #tpu.memory_space<vmem>> -> memref<1x1x1x128x32xf32, #tpu.memory_space<vmem>>
    %dma_wait3A_124 = tpu.memref_squeeze %dma_wait3A_123 : memref<1x1x1x128x32xf32, #tpu.memory_space<vmem>> -> memref<128x32xf32, #tpu.memory_space<vmem>>
    %dma_wait3A_125 = arith.constant 0 : i32
    %dma_wait3A_126 = tpu.memref_slice %arg6[%dma_wait3A, %dma_wait3A_125] : memref<128x200xi32, #tpu.memory_space<vmem>> -> memref<1x128xi32, #tpu.memory_space<vmem>>
    %dma_wait3A_127 = tpu.memref_squeeze %dma_wait3A_126 : memref<1x128xi32, #tpu.memory_space<vmem>> -> memref<128xi32, #tpu.memory_space<vmem>>
    %dma_wait3A_128 = arith.constant 0 : i32
    %dma_wait3A_129 = arith.constant 0 : i32
    %dma_wait3A_130 = tpu.memref_slice %arg2[%dma_wait3A_128, %dma_wait3A_129] : memref<1000000x32xf32, #tpu.memory_space<hbm>> -> memref<1000000x32xf32, #tpu.memory_space<hbm>>
    tpu.wait_indirect_dma semaphore(%arg8 : memref<!tpu.dma_semaphore, #tpu.memory_space<semaphore_mem>>) src(%dma_wait3A_130 : memref<1000000x32xf32, #tpu.memory_space<hbm>>) dst(%dma_wait3A_124 : memref<128x32xf32, #tpu.memory_space<vmem>>)
    %dma_wait3A_131 = arith.constant 0 : i32
    %dma_wait3A_132 = arith.constant 0 : i32
    %dma_wait3A_133 = arith.constant 0 : i32
    %dma_wait3A_134 = arith.constant 0 : i32
    %dma_wait3A_135 = arith.constant 128 : i32
    %dma_wait3A_136 = arith.constant 0 : i32
    %dma_wait3A_137 = tpu.memref_slice %arg7[%dma_wait3A_132, %dma_wait3A_133, %dma_wait3A_134, %dma_wait3A_135, %dma_wait3A_136] : memref<2x2x2x200x32xf32, #tpu.memory_space<vmem>> -> memref<1x1x1x72x32xf32, #tpu.memory_space<vmem>>
    %dma_wait3A_138 = tpu.memref_squeeze %dma_wait3A_137 : memref<1x1x1x72x32xf32, #tpu.memory_space<vmem>> -> memref<72x32xf32, #tpu.memory_space<vmem>>
    %dma_wait3A_139 = arith.constant 128 : i32
    %dma_wait3A_140 = tpu.memref_slice %arg6[%dma_wait3A_131, %dma_wait3A_139] : memref<128x200xi32, #tpu.memory_space<vmem>> -> memref<1x72xi32, #tpu.memory_space<vmem>>
    %dma_wait3A_141 = tpu.memref_squeeze %dma_wait3A_140 : memref<1x72xi32, #tpu.memory_space<vmem>> -> memref<72xi32, #tpu.memory_space<vmem>>
    %dma_wait3A_142 = arith.constant 0 : i32
    %dma_wait3A_143 = arith.constant 0 : i32
    %dma_wait3A_144 = tpu.memref_slice %arg2[%dma_wait3A_142, %dma_wait3A_143] : memref<1000000x32xf32, #tpu.memory_space<hbm>> -> memref<1000000x32xf32, #tpu.memory_space<hbm>>
    tpu.wait_indirect_dma semaphore(%arg8 : memref<!tpu.dma_semaphore, #tpu.memory_space<semaphore_mem>>) src(%dma_wait3A_144 : memref<1000000x32xf32, #tpu.memory_space<hbm>>) dst(%dma_wait3A_138 : memref<72x32xf32, #tpu.memory_space<vmem>>)
    %dma_wait3A_145 = arith.constant 0 : i32
    %dma_wait3A_146 = arith.constant 0 : i32
    %dma_wait3A_147 = arith.constant 1 : i32
    %dma_wait3A_148 = arith.constant 0 : i32
    %dma_wait3A_149 = arith.constant 0 : i32
    %dma_wait3A_150 = arith.constant 0 : i32
    %dma_wait3A_151 = tpu.memref_slice %arg7[%dma_wait3A_146, %dma_wait3A_147, %dma_wait3A_148, %dma_wait3A_149, %dma_wait3A_150] : memref<2x2x2x200x32xf32, #tpu.memory_space<vmem>> -> memref<1x1x1x128x32xf32, #tpu.memory_space<vmem>>
    %dma_wait3A_152 = tpu.memref_squeeze %dma_wait3A_151 : memref<1x1x1x128x32xf32, #tpu.memory_space<vmem>> -> memref<128x32xf32, #tpu.memory_space<vmem>>
    %dma_wait3A_153 = arith.constant 0 : i32
    %dma_wait3A_154 = tpu.memref_slice %arg6[%dma_wait3A_145, %dma_wait3A_153] : memref<128x200xi32, #tpu.memory_space<vmem>> -> memref<1x128xi32, #tpu.memory_space<vmem>>
    %dma_wait3A_155 = tpu.memref_squeeze %dma_wait3A_154 : memref<1x128xi32, #tpu.memory_space<vmem>> -> memref<128xi32, #tpu.memory_space<vmem>>
    %dma_wait3A_156 = arith.constant 0 : i32
    %dma_wait3A_157 = arith.constant 0 : i32
    %dma_wait3A_158 = tpu.memref_slice %arg3[%dma_wait3A_156, %dma_wait3A_157] : memref<1000000x32xf32, #tpu.memory_space<hbm>> -> memref<1000000x32xf32, #tpu.memory_space<hbm>>
    tpu.wait_indirect_dma semaphore(%arg8 : memref<!tpu.dma_semaphore, #tpu.memory_space<semaphore_mem>>) src(%dma_wait3A_158 : memref<1000000x32xf32, #tpu.memory_space<hbm>>) dst(%dma_wait3A_152 : memref<128x32xf32, #tpu.memory_space<vmem>>)
    %dma_wait3A_159 = arith.constant 0 : i32
    %dma_wait3A_160 = arith.constant 0 : i32
    %dma_wait3A_161 = arith.constant 1 : i32
    %dma_wait3A_162 = arith.constant 0 : i32
    %dma_wait3A_163 = arith.constant 128 : i32
    %dma_wait3A_164 = arith.constant 0 : i32
    %dma_wait3A_165 = tpu.memref_slice %arg7[%dma_wait3A_160, %dma_wait3A_161, %dma_wait3A_162, %dma_wait3A_163, %dma_wait3A_164] : memref<2x2x2x200x32xf32, #tpu.memory_space<vmem>> -> memref<1x1x1x72x32xf32, #tpu.memory_space<vmem>>
    %dma_wait3A_166 = tpu.memref_squeeze %dma_wait3A_165 : memref<1x1x1x72x32xf32, #tpu.memory_space<vmem>> -> memref<72x32xf32, #tpu.memory_space<vmem>>
    %dma_wait3A_167 = arith.constant 128 : i32
    %dma_wait3A_168 = tpu.memref_slice %arg6[%dma_wait3A_159, %dma_wait3A_167] : memref<128x200xi32, #tpu.memory_space<vmem>> -> memref<1x72xi32, #tpu.memory_space<vmem>>
    %dma_wait3A_169 = tpu.memref_squeeze %dma_wait3A_168 : memref<1x72xi32, #tpu.memory_space<vmem>> -> memref<72xi32, #tpu.memory_space<vmem>>
    %dma_wait3A_170 = arith.constant 0 : i32
    %dma_wait3A_171 = arith.constant 0 : i32
    %dma_wait3A_172 = tpu.memref_slice %arg3[%dma_wait3A_170, %dma_wait3A_171] : memref<1000000x32xf32, #tpu.memory_space<hbm>> -> memref<1000000x32xf32, #tpu.memory_space<hbm>>
    tpu.wait_indirect_dma semaphore(%arg8 : memref<!tpu.dma_semaphore, #tpu.memory_space<semaphore_mem>>) src(%dma_wait3A_172 : memref<1000000x32xf32, #tpu.memory_space<hbm>>) dst(%dma_wait3A_166 : memref<72x32xf32, #tpu.memory_space<vmem>>)
    %dma_wait3A_173 = arith.constant 1 : i32
    %dma_wait3A_174 = arith.constant 0 : i32
    %dma_wait3A_175 = arith.constant 0 : i32
    %dma_wait3A_176 = arith.constant 1 : i32
    %dma_wait3A_177 = arith.constant 0 : i32
    %dma_wait3A_178 = arith.constant 0 : i32
    %dma_wait3A_179 = tpu.memref_slice %arg7[%dma_wait3A_174, %dma_wait3A_175, %dma_wait3A_176, %dma_wait3A_177, %dma_wait3A_178] : memref<2x2x2x200x32xf32, #tpu.memory_space<vmem>> -> memref<1x1x1x128x32xf32, #tpu.memory_space<vmem>>
    %dma_wait3A_180 = tpu.memref_squeeze %dma_wait3A_179 : memref<1x1x1x128x32xf32, #tpu.memory_space<vmem>> -> memref<128x32xf32, #tpu.memory_space<vmem>>
    %dma_wait3A_181 = arith.constant 0 : i32
    %dma_wait3A_182 = tpu.memref_slice %arg6[%dma_wait3A_173, %dma_wait3A_181] : memref<128x200xi32, #tpu.memory_space<vmem>> -> memref<1x128xi32, #tpu.memory_space<vmem>>
    %dma_wait3A_183 = tpu.memref_squeeze %dma_wait3A_182 : memref<1x128xi32, #tpu.memory_space<vmem>> -> memref<128xi32, #tpu.memory_space<vmem>>
    %dma_wait3A_184 = arith.constant 0 : i32
    %dma_wait3A_185 = arith.constant 0 : i32
    %dma_wait3A_186 = tpu.memref_slice %arg2[%dma_wait3A_184, %dma_wait3A_185] : memref<1000000x32xf32, #tpu.memory_space<hbm>> -> memref<1000000x32xf32, #tpu.memory_space<hbm>>
    tpu.wait_indirect_dma semaphore(%arg8 : memref<!tpu.dma_semaphore, #tpu.memory_space<semaphore_mem>>) src(%dma_wait3A_186 : memref<1000000x32xf32, #tpu.memory_space<hbm>>) dst(%dma_wait3A_180 : memref<128x32xf32, #tpu.memory_space<vmem>>)
    %dma_wait3A_187 = arith.constant 1 : i32
    %dma_wait3A_188 = arith.constant 0 : i32
    %dma_wait3A_189 = arith.constant 0 : i32
    %dma_wait3A_190 = arith.constant 1 : i32
    %dma_wait3A_191 = arith.constant 128 : i32
    %dma_wait3A_192 = arith.constant 0 : i32
    %dma_wait3A_193 = tpu.memref_slice %arg7[%dma_wait3A_188, %dma_wait3A_189, %dma_wait3A_190, %dma_wait3A_191, %dma_wait3A_192] : memref<2x2x2x200x32xf32, #tpu.memory_space<vmem>> -> memref<1x1x1x72x32xf32, #tpu.memory_space<vmem>>
    %dma_wait3A_194 = tpu.memref_squeeze %dma_wait3A_193 : memref<1x1x1x72x32xf32, #tpu.memory_space<vmem>> -> memref<72x32xf32, #tpu.memory_space<vmem>>
    %dma_wait3A_195 = arith.constant 128 : i32
    %dma_wait3A_196 = tpu.memref_slice %arg6[%dma_wait3A_187, %dma_wait3A_195] : memref<128x200xi32, #tpu.memory_space<vmem>> -> memref<1x72xi32, #tpu.memory_space<vmem>>
    %dma_wait3A_197 = tpu.memref_squeeze %dma_wait3A_196 : memref<1x72xi32, #tpu.memory_space<vmem>> -> memref<72xi32, #tpu.memory_space<vmem>>
    %dma_wait3A_198 = arith.constant 0 : i32
    %dma_wait3A_199 = arith.constant 0 : i32
    %dma_wait3A_200 = tpu.memref_slice %arg2[%dma_wait3A_198, %dma_wait3A_199] : memref<1000000x32xf32, #tpu.memory_space<hbm>> -> memref<1000000x32xf32, #tpu.memory_space<hbm>>
    tpu.wait_indirect_dma semaphore(%arg8 : memref<!tpu.dma_semaphore, #tpu.memory_space<semaphore_mem>>) src(%dma_wait3A_200 : memref<1000000x32xf32, #tpu.memory_space<hbm>>) dst(%dma_wait3A_194 : memref<72x32xf32, #tpu.memory_space<vmem>>)
    %dma_wait3A_201 = arith.constant 1 : i32
    %dma_wait3A_202 = arith.constant 0 : i32
    %dma_wait3A_203 = arith.constant 1 : i32
    %dma_wait3A_204 = arith.constant 1 : i32
    %dma_wait3A_205 = arith.constant 0 : i32
    %dma_wait3A_206 = arith.constant 0 : i32
    %dma_wait3A_207 = tpu.memref_slice %arg7[%dma_wait3A_202, %dma_wait3A_203, %dma_wait3A_204, %dma_wait3A_205, %dma_wait3A_206] : memref<2x2x2x200x32xf32, #tpu.memory_space<vmem>> -> memref<1x1x1x128x32xf32, #tpu.memory_space<vmem>>
    %dma_wait3A_208 = tpu.memref_squeeze %dma_wait3A_207 : memref<1x1x1x128x32xf32, #tpu.memory_space<vmem>> -> memref<128x32xf32, #tpu.memory_space<vmem>>
    %dma_wait3A_209 = arith.constant 0 : i32
    %dma_wait3A_210 = tpu.memref_slice %arg6[%dma_wait3A_201, %dma_wait3A_209] : memref<128x200xi32, #tpu.memory_space<vmem>> -> memref<1x128xi32, #tpu.memory_space<vmem>>
    %dma_wait3A_211 = tpu.memref_squeeze %dma_wait3A_210 : memref<1x128xi32, #tpu.memory_space<vmem>> -> memref<128xi32, #tpu.memory_space<vmem>>
    %dma_wait3A_212 = arith.constant 0 : i32
    %dma_wait3A_213 = arith.constant 0 : i32
    %dma_wait3A_214 = tpu.memref_slice %arg3[%dma_wait3A_212, %dma_wait3A_213] : memref<1000000x32xf32, #tpu.memory_space<hbm>> -> memref<1000000x32xf32, #tpu.memory_space<hbm>>
    tpu.wait_indirect_dma semaphore(%arg8 : memref<!tpu.dma_semaphore, #tpu.memory_space<semaphore_mem>>) src(%dma_wait3A_214 : memref<1000000x32xf32, #tpu.memory_space<hbm>>) dst(%dma_wait3A_208 : memref<128x32xf32, #tpu.memory_space<vmem>>)
    %dma_wait3A_215 = arith.constant 1 : i32
    %dma_wait3A_216 = arith.constant 0 : i32
    %dma_wait3A_217 = arith.constant 1 : i32
    %dma_wait3A_218 = arith.constant 1 : i32
    %dma_wait3A_219 = arith.constant 128 : i32
    %dma_wait3A_220 = arith.constant 0 : i32
    %dma_wait3A_221 = tpu.memref_slice %arg7[%dma_wait3A_216, %dma_wait3A_217, %dma_wait3A_218, %dma_wait3A_219, %dma_wait3A_220] : memref<2x2x2x200x32xf32, #tpu.memory_space<vmem>> -> memref<1x1x1x72x32xf32, #tpu.memory_space<vmem>>
    %dma_wait3A_222 = tpu.memref_squeeze %dma_wait3A_221 : memref<1x1x1x72x32xf32, #tpu.memory_space<vmem>> -> memref<72x32xf32, #tpu.memory_space<vmem>>
    %dma_wait3A_223 = arith.constant 128 : i32
    %dma_wait3A_224 = tpu.memref_slice %arg6[%dma_wait3A_215, %dma_wait3A_223] : memref<128x200xi32, #tpu.memory_space<vmem>> -> memref<1x72xi32, #tpu.memory_space<vmem>>
    %dma_wait3A_225 = tpu.memref_squeeze %dma_wait3A_224 : memref<1x72xi32, #tpu.memory_space<vmem>> -> memref<72xi32, #tpu.memory_space<vmem>>
    %dma_wait3A_226 = arith.constant 0 : i32
    %dma_wait3A_227 = arith.constant 0 : i32
    %dma_wait3A_228 = tpu.memref_slice %arg3[%dma_wait3A_226, %dma_wait3A_227] : memref<1000000x32xf32, #tpu.memory_space<hbm>> -> memref<1000000x32xf32, #tpu.memory_space<hbm>>
    tpu.wait_indirect_dma semaphore(%arg8 : memref<!tpu.dma_semaphore, #tpu.memory_space<semaphore_mem>>) src(%dma_wait3A_228 : memref<1000000x32xf32, #tpu.memory_space<hbm>>) dst(%dma_wait3A_222 : memref<72x32xf32, #tpu.memory_space<vmem>>)
    %dma_start3A_229 = arith.constant 0 : i32
    %dma_start3A_230 = arith.constant 0 : i32
    %dma_start3A_231 = arith.constant 0 : i32
    %dma_start3A_232 = arith.constant 0 : i32
    %dma_start3A_233 = arith.constant 0 : i32
    %dma_start3A_234 = tpu.memref_slice %arg7[%dma_start3A_229, %dma_start3A_230, %dma_start3A_231, %dma_start3A_232, %dma_start3A_233] : memref<2x2x2x200x32xf32, #tpu.memory_space<vmem>> -> memref<1x1x2x200x32xf32, #tpu.memory_space<vmem>>
    %dma_start3A_235 = tpu.memref_squeeze %dma_start3A_234 : memref<1x1x2x200x32xf32, #tpu.memory_space<vmem>> -> memref<2x200x32xf32, #tpu.memory_space<vmem>>
    %dma_start3A_236 = arith.constant 0 : i32
    %dma_start3A_237 = arith.constant 0 : i32
    %dma_start3A_238 = tpu.memref_slice %arg5[%add3A_4, %dma_start3A_236, %dma_start3A_237] : memref<4096x200x64xf32, #tpu.memory_space<hbm>> -> memref<2x200x32xf32, #tpu.memory_space<hbm>>
    %dma_start3A_239 = arith.constant 0 : i32
    %dma_start3A_240 = arith.constant 0 : i32
    %dma_start3A_241 = tpu.memref_slice %arg5[%add3A_4, %dma_start3A_239, %dma_start3A_240] : memref<4096x200x64xf32, #tpu.memory_space<hbm>> -> memref<2x200x32xf32, #tpu.memory_space<hbm>>
    %dma_start3A_242 = arith.constant 0 : i32
    %dma_start3A_243 = arith.constant 0 : i32
    %dma_start3A_244 = arith.constant 0 : i32
    %dma_start3A_245 = tpu.memref_slice %arg7[%dma_start3A_229, %dma_start3A_230, %dma_start3A_242, %dma_start3A_243, %dma_start3A_244] : memref<2x2x2x200x32xf32, #tpu.memory_space<vmem>> -> memref<1x1x2x200x32xf32, #tpu.memory_space<vmem>>
    %dma_start3A_246 = tpu.memref_squeeze %dma_start3A_245 : memref<1x1x2x200x32xf32, #tpu.memory_space<vmem>> -> memref<2x200x32xf32, #tpu.memory_space<vmem>>
    tpu.enqueue_dma source(%dma_start3A_246 : memref<2x200x32xf32, #tpu.memory_space<vmem>>) target(%dma_start3A_241 : memref<2x200x32xf32, #tpu.memory_space<hbm>>) target_semaphore(%arg9 : memref<!tpu.dma_semaphore, #tpu.memory_space<semaphore_mem>>)
    %dma_start3A_247 = arith.constant 0 : i32
    %dma_start3A_248 = arith.constant 1 : i32
    %dma_start3A_249 = arith.constant 0 : i32
    %dma_start3A_250 = arith.constant 0 : i32
    %dma_start3A_251 = arith.constant 0 : i32
    %dma_start3A_252 = tpu.memref_slice %arg7[%dma_start3A_247, %dma_start3A_248, %dma_start3A_249, %dma_start3A_250, %dma_start3A_251] : memref<2x2x2x200x32xf32, #tpu.memory_space<vmem>> -> memref<1x1x2x200x32xf32, #tpu.memory_space<vmem>>
    %dma_start3A_253 = tpu.memref_squeeze %dma_start3A_252 : memref<1x1x2x200x32xf32, #tpu.memory_space<vmem>> -> memref<2x200x32xf32, #tpu.memory_space<vmem>>
    %dma_start3A_254 = arith.constant 0 : i32
    %dma_start3A_255 = arith.constant 32 : i32
    %dma_start3A_256 = tpu.memref_slice %arg5[%add3A_6, %dma_start3A_254, %dma_start3A_255] : memref<4096x200x64xf32, #tpu.memory_space<hbm>> -> memref<2x200x32xf32, #tpu.memory_space<hbm>>
    %dma_start3A_257 = arith.constant 0 : i32
    %dma_start3A_258 = arith.constant 32 : i32
    %dma_start3A_259 = tpu.memref_slice %arg5[%add3A_6, %dma_start3A_257, %dma_start3A_258] : memref<4096x200x64xf32, #tpu.memory_space<hbm>> -> memref<2x200x32xf32, #tpu.memory_space<hbm>>
    %dma_start3A_260 = arith.constant 0 : i32
    %dma_start3A_261 = arith.constant 0 : i32
    %dma_start3A_262 = arith.constant 0 : i32
    %dma_start3A_263 = tpu.memref_slice %arg7[%dma_start3A_247, %dma_start3A_248, %dma_start3A_260, %dma_start3A_261, %dma_start3A_262] : memref<2x2x2x200x32xf32, #tpu.memory_space<vmem>> -> memref<1x1x2x200x32xf32, #tpu.memory_space<vmem>>
    %dma_start3A_264 = tpu.memref_squeeze %dma_start3A_263 : memref<1x1x2x200x32xf32, #tpu.memory_space<vmem>> -> memref<2x200x32xf32, #tpu.memory_space<vmem>>
    tpu.enqueue_dma source(%dma_start3A_264 : memref<2x200x32xf32, #tpu.memory_space<vmem>>) target(%dma_start3A_259 : memref<2x200x32xf32, #tpu.memory_space<hbm>>) target_semaphore(%arg11 : memref<!tpu.dma_semaphore, #tpu.memory_space<semaphore_mem>>)
    %add3A_265 = arith.constant 2 : i32
    %add3A_266 = arith.addi %mul3A_2, %add3A_265 : i32
    %add3A_267 = arith.constant 2 : i32
    %add3A_268 = arith.addi %mul3A_2, %add3A_267 : i32
    %dma_start3A_269 = arith.constant 2 : i32
    %dma_start3A_270 = arith.constant 1 : i32
    %dma_start3A_271 = arith.constant 0 : i32
    %dma_start3A_272 = arith.constant 0 : i32
    %dma_start3A_273 = arith.constant 0 : i32
    %dma_start3A_274 = arith.constant 0 : i32
    %dma_start3A_275 = tpu.memref_slice %arg7[%dma_start3A_270, %dma_start3A_271, %dma_start3A_272, %dma_start3A_273, %dma_start3A_274] : memref<2x2x2x200x32xf32, #tpu.memory_space<vmem>> -> memref<1x1x1x128x32xf32, #tpu.memory_space<vmem>>
    %dma_start3A_276 = tpu.memref_squeeze %dma_start3A_275 : memref<1x1x1x128x32xf32, #tpu.memory_space<vmem>> -> memref<128x32xf32, #tpu.memory_space<vmem>>
    %dma_start3A_277 = arith.constant 0 : i32
    %dma_start3A_278 = tpu.memref_slice %arg6[%dma_start3A_269, %dma_start3A_277] : memref<128x200xi32, #tpu.memory_space<vmem>> -> memref<1x128xi32, #tpu.memory_space<vmem>>
    %dma_start3A_279 = tpu.memref_squeeze %dma_start3A_278 : memref<1x128xi32, #tpu.memory_space<vmem>> -> memref<128xi32, #tpu.memory_space<vmem>>
    %dma_start3A_280 = arith.constant 0 : i32
    %dma_start3A_281 = arith.constant 0 : i32
    %dma_start3A_282 = tpu.memref_slice %arg2[%dma_start3A_280, %dma_start3A_281] : memref<1000000x32xf32, #tpu.memory_space<hbm>> -> memref<1000000x32xf32, #tpu.memory_space<hbm>>
    tpu.enqueue_indirect_dma source(%dma_start3A_282 : memref<1000000x32xf32, #tpu.memory_space<hbm>>) target(%dma_start3A_276 : memref<128x32xf32, #tpu.memory_space<vmem>>) offsets(%dma_start3A_279 : memref<128xi32, #tpu.memory_space<vmem>>) semaphore(%arg8 : memref<!tpu.dma_semaphore, #tpu.memory_space<semaphore_mem>>)
    %dma_start3A_283 = arith.constant 2 : i32
    %dma_start3A_284 = arith.constant 1 : i32
    %dma_start3A_285 = arith.constant 0 : i32
    %dma_start3A_286 = arith.constant 0 : i32
    %dma_start3A_287 = arith.constant 128 : i32
    %dma_start3A_288 = arith.constant 0 : i32
    %dma_start3A_289 = tpu.memref_slice %arg7[%dma_start3A_284, %dma_start3A_285, %dma_start3A_286, %dma_start3A_287, %dma_start3A_288] : memref<2x2x2x200x32xf32, #tpu.memory_space<vmem>> -> memref<1x1x1x72x32xf32, #tpu.memory_space<vmem>>
    %dma_start3A_290 = tpu.memref_squeeze %dma_start3A_289 : memref<1x1x1x72x32xf32, #tpu.memory_space<vmem>> -> memref<72x32xf32, #tpu.memory_space<vmem>>
    %dma_start3A_291 = arith.constant 128 : i32
    %dma_start3A_292 = tpu.memref_slice %arg6[%dma_start3A_283, %dma_start3A_291] : memref<128x200xi32, #tpu.memory_space<vmem>> -> memref<1x72xi32, #tpu.memory_space<vmem>>
    %dma_start3A_293 = tpu.memref_squeeze %dma_start3A_292 : memref<1x72xi32, #tpu.memory_space<vmem>> -> memref<72xi32, #tpu.memory_space<vmem>>
    %dma_start3A_294 = arith.constant 0 : i32
    %dma_start3A_295 = arith.constant 0 : i32
    %dma_start3A_296 = tpu.memref_slice %arg2[%dma_start3A_294, %dma_start3A_295] : memref<1000000x32xf32, #tpu.memory_space<hbm>> -> memref<1000000x32xf32, #tpu.memory_space<hbm>>
    tpu.enqueue_indirect_dma source(%dma_start3A_296 : memref<1000000x32xf32, #tpu.memory_space<hbm>>) target(%dma_start3A_290 : memref<72x32xf32, #tpu.memory_space<vmem>>) offsets(%dma_start3A_293 : memref<72xi32, #tpu.memory_space<vmem>>) semaphore(%arg8 : memref<!tpu.dma_semaphore, #tpu.memory_space<semaphore_mem>>)
    %dma_start3A_297 = arith.constant 2 : i32
    %dma_start3A_298 = arith.constant 1 : i32
    %dma_start3A_299 = arith.constant 1 : i32
    %dma_start3A_300 = arith.constant 0 : i32
    %dma_start3A_301 = arith.constant 0 : i32
    %dma_start3A_302 = arith.constant 0 : i32
    %dma_start3A_303 = tpu.memref_slice %arg7[%dma_start3A_298, %dma_start3A_299, %dma_start3A_300, %dma_start3A_301, %dma_start3A_302] : memref<2x2x2x200x32xf32, #tpu.memory_space<vmem>> -> memref<1x1x1x128x32xf32, #tpu.memory_space<vmem>>
    %dma_start3A_304 = tpu.memref_squeeze %dma_start3A_303 : memref<1x1x1x128x32xf32, #tpu.memory_space<vmem>> -> memref<128x32xf32, #tpu.memory_space<vmem>>
    %dma_start3A_305 = arith.constant 0 : i32
    %dma_start3A_306 = tpu.memref_slice %arg6[%dma_start3A_297, %dma_start3A_305] : memref<128x200xi32, #tpu.memory_space<vmem>> -> memref<1x128xi32, #tpu.memory_space<vmem>>
    %dma_start3A_307 = tpu.memref_squeeze %dma_start3A_306 : memref<1x128xi32, #tpu.memory_space<vmem>> -> memref<128xi32, #tpu.memory_space<vmem>>
    %dma_start3A_308 = arith.constant 0 : i32
    %dma_start3A_309 = arith.constant 0 : i32
    %dma_start3A_310 = tpu.memref_slice %arg3[%dma_start3A_308, %dma_start3A_309] : memref<1000000x32xf32, #tpu.memory_space<hbm>> -> memref<1000000x32xf32, #tpu.memory_space<hbm>>
    tpu.enqueue_indirect_dma source(%dma_start3A_310 : memref<1000000x32xf32, #tpu.memory_space<hbm>>) target(%dma_start3A_304 : memref<128x32xf32, #tpu.memory_space<vmem>>) offsets(%dma_start3A_307 : memref<128xi32, #tpu.memory_space<vmem>>) semaphore(%arg8 : memref<!tpu.dma_semaphore, #tpu.memory_space<semaphore_mem>>)
    %dma_start3A_311 = arith.constant 2 : i32
    %dma_start3A_312 = arith.constant 1 : i32
    %dma_start3A_313 = arith.constant 1 : i32
    %dma_start3A_314 = arith.constant 0 : i32
    %dma_start3A_315 = arith.constant 128 : i32
    %dma_start3A_316 = arith.constant 0 : i32
    %dma_start3A_317 = tpu.memref_slice %arg7[%dma_start3A_312, %dma_start3A_313, %dma_start3A_314, %dma_start3A_315, %dma_start3A_316] : memref<2x2x2x200x32xf32, #tpu.memory_space<vmem>> -> memref<1x1x1x72x32xf32, #tpu.memory_space<vmem>>
    %dma_start3A_318 = tpu.memref_squeeze %dma_start3A_317 : memref<1x1x1x72x32xf32, #tpu.memory_space<vmem>> -> memref<72x32xf32, #tpu.memory_space<vmem>>
    %dma_start3A_319 = arith.constant 128 : i32
    %dma_start3A_320 = tpu.memref_slice %arg6[%dma_start3A_311, %dma_start3A_319] : memref<128x200xi32, #tpu.memory_space<vmem>> -> memref<1x72xi32, #tpu.memory_space<vmem>>
    %dma_start3A_321 = tpu.memref_squeeze %dma_start3A_320 : memref<1x72xi32, #tpu.memory_space<vmem>> -> memref<72xi32, #tpu.memory_space<vmem>>
    %dma_start3A_322 = arith.constant 0 : i32
    %dma_start3A_323 = arith.constant 0 : i32
    %dma_start3A_324 = tpu.memref_slice %arg3[%dma_start3A_322, %dma_start3A_323] : memref<1000000x32xf32, #tpu.memory_space<hbm>> -> memref<1000000x32xf32, #tpu.memory_space<hbm>>
    tpu.enqueue_indirect_dma source(%dma_start3A_324 : memref<1000000x32xf32, #tpu.memory_space<hbm>>) target(%dma_start3A_318 : memref<72x32xf32, #tpu.memory_space<vmem>>) offsets(%dma_start3A_321 : memref<72xi32, #tpu.memory_space<vmem>>) semaphore(%arg8 : memref<!tpu.dma_semaphore, #tpu.memory_space<semaphore_mem>>)
    %dma_start3A_325 = arith.constant 3 : i32
    %dma_start3A_326 = arith.constant 1 : i32
    %dma_start3A_327 = arith.constant 0 : i32
    %dma_start3A_328 = arith.constant 1 : i32
    %dma_start3A_329 = arith.constant 0 : i32
    %dma_start3A_330 = arith.constant 0 : i32
    %dma_start3A_331 = tpu.memref_slice %arg7[%dma_start3A_326, %dma_start3A_327, %dma_start3A_328, %dma_start3A_329, %dma_start3A_330] : memref<2x2x2x200x32xf32, #tpu.memory_space<vmem>> -> memref<1x1x1x128x32xf32, #tpu.memory_space<vmem>>
    %dma_start3A_332 = tpu.memref_squeeze %dma_start3A_331 : memref<1x1x1x128x32xf32, #tpu.memory_space<vmem>> -> memref<128x32xf32, #tpu.memory_space<vmem>>
    %dma_start3A_333 = arith.constant 0 : i32
    %dma_start3A_334 = tpu.memref_slice %arg6[%dma_start3A_325, %dma_start3A_333] : memref<128x200xi32, #tpu.memory_space<vmem>> -> memref<1x128xi32, #tpu.memory_space<vmem>>
    %dma_start3A_335 = tpu.memref_squeeze %dma_start3A_334 : memref<1x128xi32, #tpu.memory_space<vmem>> -> memref<128xi32, #tpu.memory_space<vmem>>
    %dma_start3A_336 = arith.constant 0 : i32
    %dma_start3A_337 = arith.constant 0 : i32
    %dma_start3A_338 = tpu.memref_slice %arg2[%dma_start3A_336, %dma_start3A_337] : memref<1000000x32xf32, #tpu.memory_space<hbm>> -> memref<1000000x32xf32, #tpu.memory_space<hbm>>
    tpu.enqueue_indirect_dma source(%dma_start3A_338 : memref<1000000x32xf32, #tpu.memory_space<hbm>>) target(%dma_start3A_332 : memref<128x32xf32, #tpu.memory_space<vmem>>) offsets(%dma_start3A_335 : memref<128xi32, #tpu.memory_space<vmem>>) semaphore(%arg8 : memref<!tpu.dma_semaphore, #tpu.memory_space<semaphore_mem>>)
    %dma_start3A_339 = arith.constant 3 : i32
    %dma_start3A_340 = arith.constant 1 : i32
    %dma_start3A_341 = arith.constant 0 : i32
    %dma_start3A_342 = arith.constant 1 : i32
    %dma_start3A_343 = arith.constant 128 : i32
    %dma_start3A_344 = arith.constant 0 : i32
    %dma_start3A_345 = tpu.memref_slice %arg7[%dma_start3A_340, %dma_start3A_341, %dma_start3A_342, %dma_start3A_343, %dma_start3A_344] : memref<2x2x2x200x32xf32, #tpu.memory_space<vmem>> -> memref<1x1x1x72x32xf32, #tpu.memory_space<vmem>>
    %dma_start3A_346 = tpu.memref_squeeze %dma_start3A_345 : memref<1x1x1x72x32xf32, #tpu.memory_space<vmem>> -> memref<72x32xf32, #tpu.memory_space<vmem>>
    %dma_start3A_347 = arith.constant 128 : i32
    %dma_start3A_348 = tpu.memref_slice %arg6[%dma_start3A_339, %dma_start3A_347] : memref<128x200xi32, #tpu.memory_space<vmem>> -> memref<1x72xi32, #tpu.memory_space<vmem>>
    %dma_start3A_349 = tpu.memref_squeeze %dma_start3A_348 : memref<1x72xi32, #tpu.memory_space<vmem>> -> memref<72xi32, #tpu.memory_space<vmem>>
    %dma_start3A_350 = arith.constant 0 : i32
    %dma_start3A_351 = arith.constant 0 : i32
    %dma_start3A_352 = tpu.memref_slice %arg2[%dma_start3A_350, %dma_start3A_351] : memref<1000000x32xf32, #tpu.memory_space<hbm>> -> memref<1000000x32xf32, #tpu.memory_space<hbm>>
    tpu.enqueue_indirect_dma source(%dma_start3A_352 : memref<1000000x32xf32, #tpu.memory_space<hbm>>) target(%dma_start3A_346 : memref<72x32xf32, #tpu.memory_space<vmem>>) offsets(%dma_start3A_349 : memref<72xi32, #tpu.memory_space<vmem>>) semaphore(%arg8 : memref<!tpu.dma_semaphore, #tpu.memory_space<semaphore_mem>>)
    %dma_start3A_353 = arith.constant 3 : i32
    %dma_start3A_354 = arith.constant 1 : i32
    %dma_start3A_355 = arith.constant 1 : i32
    %dma_start3A_356 = arith.constant 1 : i32
    %dma_start3A_357 = arith.constant 0 : i32
    %dma_start3A_358 = arith.constant 0 : i32
    %dma_start3A_359 = tpu.memref_slice %arg7[%dma_start3A_354, %dma_start3A_355, %dma_start3A_356, %dma_start3A_357, %dma_start3A_358] : memref<2x2x2x200x32xf32, #tpu.memory_space<vmem>> -> memref<1x1x1x128x32xf32, #tpu.memory_space<vmem>>
    %dma_start3A_360 = tpu.memref_squeeze %dma_start3A_359 : memref<1x1x1x128x32xf32, #tpu.memory_space<vmem>> -> memref<128x32xf32, #tpu.memory_space<vmem>>
    %dma_start3A_361 = arith.constant 0 : i32
    %dma_start3A_362 = tpu.memref_slice %arg6[%dma_start3A_353, %dma_start3A_361] : memref<128x200xi32, #tpu.memory_space<vmem>> -> memref<1x128xi32, #tpu.memory_space<vmem>>
    %dma_start3A_363 = tpu.memref_squeeze %dma_start3A_362 : memref<1x128xi32, #tpu.memory_space<vmem>> -> memref<128xi32, #tpu.memory_space<vmem>>
    %dma_start3A_364 = arith.constant 0 : i32
    %dma_start3A_365 = arith.constant 0 : i32
    %dma_start3A_366 = tpu.memref_slice %arg3[%dma_start3A_364, %dma_start3A_365] : memref<1000000x32xf32, #tpu.memory_space<hbm>> -> memref<1000000x32xf32, #tpu.memory_space<hbm>>
    tpu.enqueue_indirect_dma source(%dma_start3A_366 : memref<1000000x32xf32, #tpu.memory_space<hbm>>) target(%dma_start3A_360 : memref<128x32xf32, #tpu.memory_space<vmem>>) offsets(%dma_start3A_363 : memref<128xi32, #tpu.memory_space<vmem>>) semaphore(%arg8 : memref<!tpu.dma_semaphore, #tpu.memory_space<semaphore_mem>>)
    %dma_start3A_367 = arith.constant 3 : i32
    %dma_start3A_368 = arith.constant 1 : i32
    %dma_start3A_369 = arith.constant 1 : i32
    %dma_start3A_370 = arith.constant 1 : i32
    %dma_start3A_371 = arith.constant 128 : i32
    %dma_start3A_372 = arith.constant 0 : i32
    %dma_start3A_373 = tpu.memref_slice %arg7[%dma_start3A_368, %dma_start3A_369, %dma_start3A_370, %dma_start3A_371, %dma_start3A_372] : memref<2x2x2x200x32xf32, #tpu.memory_space<vmem>> -> memref<1x1x1x72x32xf32, #tpu.memory_space<vmem>>
    %dma_start3A_374 = tpu.memref_squeeze %dma_start3A_373 : memref<1x1x1x72x32xf32, #tpu.memory_space<vmem>> -> memref<72x32xf32, #tpu.memory_space<vmem>>
    %dma_start3A_375 = arith.constant 128 : i32
    %dma_start3A_376 = tpu.memref_slice %arg6[%dma_start3A_367, %dma_start3A_375] : memref<128x200xi32, #tpu.memory_space<vmem>> -> memref<1x72xi32, #tpu.memory_space<vmem>>
    %dma_start3A_377 = tpu.memref_squeeze %dma_start3A_376 : memref<1x72xi32, #tpu.memory_space<vmem>> -> memref<72xi32, #tpu.memory_space<vmem>>
    %dma_start3A_378 = arith.constant 0 : i32
    %dma_start3A_379 = arith.constant 0 : i32
    %dma_start3A_380 = tpu.memref_slice %arg3[%dma_start3A_378, %dma_start3A_379] : memref<1000000x32xf32, #tpu.memory_space<hbm>> -> memref<1000000x32xf32, #tpu.memory_space<hbm>>
    tpu.enqueue_indirect_dma source(%dma_start3A_380 : memref<1000000x32xf32, #tpu.memory_space<hbm>>) target(%dma_start3A_374 : memref<72x32xf32, #tpu.memory_space<vmem>>) offsets(%dma_start3A_377 : memref<72xi32, #tpu.memory_space<vmem>>) semaphore(%arg8 : memref<!tpu.dma_semaphore, #tpu.memory_space<semaphore_mem>>)
    %dma_wait3A_381 = arith.constant 2 : i32
    %dma_wait3A_382 = arith.constant 1 : i32
    %dma_wait3A_383 = arith.constant 0 : i32
    %dma_wait3A_384 = arith.constant 0 : i32
    %dma_wait3A_385 = arith.constant 0 : i32
    %dma_wait3A_386 = arith.constant 0 : i32
    %dma_wait3A_387 = tpu.memref_slice %arg7[%dma_wait3A_382, %dma_wait3A_383, %dma_wait3A_384, %dma_wait3A_385, %dma_wait3A_386] : memref<2x2x2x200x32xf32, #tpu.memory_space<vmem>> -> memref<1x1x1x128x32xf32, #tpu.memory_space<vmem>>
    %dma_wait3A_388 = tpu.memref_squeeze %dma_wait3A_387 : memref<1x1x1x128x32xf32, #tpu.memory_space<vmem>> -> memref<128x32xf32, #tpu.memory_space<vmem>>
    %dma_wait3A_389 = arith.constant 0 : i32
    %dma_wait3A_390 = tpu.memref_slice %arg6[%dma_wait3A_381, %dma_wait3A_389] : memref<128x200xi32, #tpu.memory_space<vmem>> -> memref<1x128xi32, #tpu.memory_space<vmem>>
    %dma_wait3A_391 = tpu.memref_squeeze %dma_wait3A_390 : memref<1x128xi32, #tpu.memory_space<vmem>> -> memref<128xi32, #tpu.memory_space<vmem>>
    %dma_wait3A_392 = arith.constant 0 : i32
    %dma_wait3A_393 = arith.constant 0 : i32
    %dma_wait3A_394 = tpu.memref_slice %arg2[%dma_wait3A_392, %dma_wait3A_393] : memref<1000000x32xf32, #tpu.memory_space<hbm>> -> memref<1000000x32xf32, #tpu.memory_space<hbm>>
    tpu.wait_indirect_dma semaphore(%arg8 : memref<!tpu.dma_semaphore, #tpu.memory_space<semaphore_mem>>) src(%dma_wait3A_394 : memref<1000000x32xf32, #tpu.memory_space<hbm>>) dst(%dma_wait3A_388 : memref<128x32xf32, #tpu.memory_space<vmem>>)
    %dma_wait3A_395 = arith.constant 2 : i32
    %dma_wait3A_396 = arith.constant 1 : i32
    %dma_wait3A_397 = arith.constant 0 : i32
    %dma_wait3A_398 = arith.constant 0 : i32
    %dma_wait3A_399 = arith.constant 128 : i32
    %dma_wait3A_400 = arith.constant 0 : i32
    %dma_wait3A_401 = tpu.memref_slice %arg7[%dma_wait3A_396, %dma_wait3A_397, %dma_wait3A_398, %dma_wait3A_399, %dma_wait3A_400] : memref<2x2x2x200x32xf32, #tpu.memory_space<vmem>> -> memref<1x1x1x72x32xf32, #tpu.memory_space<vmem>>
    %dma_wait3A_402 = tpu.memref_squeeze %dma_wait3A_401 : memref<1x1x1x72x32xf32, #tpu.memory_space<vmem>> -> memref<72x32xf32, #tpu.memory_space<vmem>>
    %dma_wait3A_403 = arith.constant 128 : i32
    %dma_wait3A_404 = tpu.memref_slice %arg6[%dma_wait3A_395, %dma_wait3A_403] : memref<128x200xi32, #tpu.memory_space<vmem>> -> memref<1x72xi32, #tpu.memory_space<vmem>>
    %dma_wait3A_405 = tpu.memref_squeeze %dma_wait3A_404 : memref<1x72xi32, #tpu.memory_space<vmem>> -> memref<72xi32, #tpu.memory_space<vmem>>
    %dma_wait3A_406 = arith.constant 0 : i32
    %dma_wait3A_407 = arith.constant 0 : i32
    %dma_wait3A_408 = tpu.memref_slice %arg2[%dma_wait3A_406, %dma_wait3A_407] : memref<1000000x32xf32, #tpu.memory_space<hbm>> -> memref<1000000x32xf32, #tpu.memory_space<hbm>>
    tpu.wait_indirect_dma semaphore(%arg8 : memref<!tpu.dma_semaphore, #tpu.memory_space<semaphore_mem>>) src(%dma_wait3A_408 : memref<1000000x32xf32, #tpu.memory_space<hbm>>) dst(%dma_wait3A_402 : memref<72x32xf32, #tpu.memory_space<vmem>>)
    %dma_wait3A_409 = arith.constant 2 : i32
    %dma_wait3A_410 = arith.constant 1 : i32
    %dma_wait3A_411 = arith.constant 1 : i32
    %dma_wait3A_412 = arith.constant 0 : i32
    %dma_wait3A_413 = arith.constant 0 : i32
    %dma_wait3A_414 = arith.constant 0 : i32
    %dma_wait3A_415 = tpu.memref_slice %arg7[%dma_wait3A_410, %dma_wait3A_411, %dma_wait3A_412, %dma_wait3A_413, %dma_wait3A_414] : memref<2x2x2x200x32xf32, #tpu.memory_space<vmem>> -> memref<1x1x1x128x32xf32, #tpu.memory_space<vmem>>
    %dma_wait3A_416 = tpu.memref_squeeze %dma_wait3A_415 : memref<1x1x1x128x32xf32, #tpu.memory_space<vmem>> -> memref<128x32xf32, #tpu.memory_space<vmem>>
    %dma_wait3A_417 = arith.constant 0 : i32
    %dma_wait3A_418 = tpu.memref_slice %arg6[%dma_wait3A_409, %dma_wait3A_417] : memref<128x200xi32, #tpu.memory_space<vmem>> -> memref<1x128xi32, #tpu.memory_space<vmem>>
    %dma_wait3A_419 = tpu.memref_squeeze %dma_wait3A_418 : memref<1x128xi32, #tpu.memory_space<vmem>> -> memref<128xi32, #tpu.memory_space<vmem>>
    %dma_wait3A_420 = arith.constant 0 : i32
    %dma_wait3A_421 = arith.constant 0 : i32
    %dma_wait3A_422 = tpu.memref_slice %arg3[%dma_wait3A_420, %dma_wait3A_421] : memref<1000000x32xf32, #tpu.memory_space<hbm>> -> memref<1000000x32xf32, #tpu.memory_space<hbm>>
    tpu.wait_indirect_dma semaphore(%arg8 : memref<!tpu.dma_semaphore, #tpu.memory_space<semaphore_mem>>) src(%dma_wait3A_422 : memref<1000000x32xf32, #tpu.memory_space<hbm>>) dst(%dma_wait3A_416 : memref<128x32xf32, #tpu.memory_space<vmem>>)
    %dma_wait3A_423 = arith.constant 2 : i32
    %dma_wait3A_424 = arith.constant 1 : i32
    %dma_wait3A_425 = arith.constant 1 : i32
    %dma_wait3A_426 = arith.constant 0 : i32
    %dma_wait3A_427 = arith.constant 128 : i32
    %dma_wait3A_428 = arith.constant 0 : i32
    %dma_wait3A_429 = tpu.memref_slice %arg7[%dma_wait3A_424, %dma_wait3A_425, %dma_wait3A_426, %dma_wait3A_427, %dma_wait3A_428] : memref<2x2x2x200x32xf32, #tpu.memory_space<vmem>> -> memref<1x1x1x72x32xf32, #tpu.memory_space<vmem>>
    %dma_wait3A_430 = tpu.memref_squeeze %dma_wait3A_429 : memref<1x1x1x72x32xf32, #tpu.memory_space<vmem>> -> memref<72x32xf32, #tpu.memory_space<vmem>>
    %dma_wait3A_431 = arith.constant 128 : i32
    %dma_wait3A_432 = tpu.memref_slice %arg6[%dma_wait3A_423, %dma_wait3A_431] : memref<128x200xi32, #tpu.memory_space<vmem>> -> memref<1x72xi32, #tpu.memory_space<vmem>>
    %dma_wait3A_433 = tpu.memref_squeeze %dma_wait3A_432 : memref<1x72xi32, #tpu.memory_space<vmem>> -> memref<72xi32, #tpu.memory_space<vmem>>
    %dma_wait3A_434 = arith.constant 0 : i32
    %dma_wait3A_435 = arith.constant 0 : i32
    %dma_wait3A_436 = tpu.memref_slice %arg3[%dma_wait3A_434, %dma_wait3A_435] : memref<1000000x32xf32, #tpu.memory_space<hbm>> -> memref<1000000x32xf32, #tpu.memory_space<hbm>>
    tpu.wait_indirect_dma semaphore(%arg8 : memref<!tpu.dma_semaphore, #tpu.memory_space<semaphore_mem>>) src(%dma_wait3A_436 : memref<1000000x32xf32, #tpu.memory_space<hbm>>) dst(%dma_wait3A_430 : memref<72x32xf32, #tpu.memory_space<vmem>>)
    %dma_wait3A_437 = arith.constant 3 : i32
    %dma_wait3A_438 = arith.constant 1 : i32
    %dma_wait3A_439 = arith.constant 0 : i32
    %dma_wait3A_440 = arith.constant 1 : i32
    %dma_wait3A_441 = arith.constant 0 : i32
    %dma_wait3A_442 = arith.constant 0 : i32
    %dma_wait3A_443 = tpu.memref_slice %arg7[%dma_wait3A_438, %dma_wait3A_439, %dma_wait3A_440, %dma_wait3A_441, %dma_wait3A_442] : memref<2x2x2x200x32xf32, #tpu.memory_space<vmem>> -> memref<1x1x1x128x32xf32, #tpu.memory_space<vmem>>
    %dma_wait3A_444 = tpu.memref_squeeze %dma_wait3A_443 : memref<1x1x1x128x32xf32, #tpu.memory_space<vmem>> -> memref<128x32xf32, #tpu.memory_space<vmem>>
    %dma_wait3A_445 = arith.constant 0 : i32
    %dma_wait3A_446 = tpu.memref_slice %arg6[%dma_wait3A_437, %dma_wait3A_445] : memref<128x200xi32, #tpu.memory_space<vmem>> -> memref<1x128xi32, #tpu.memory_space<vmem>>
    %dma_wait3A_447 = tpu.memref_squeeze %dma_wait3A_446 : memref<1x128xi32, #tpu.memory_space<vmem>> -> memref<128xi32, #tpu.memory_space<vmem>>
    %dma_wait3A_448 = arith.constant 0 : i32
    %dma_wait3A_449 = arith.constant 0 : i32
    %dma_wait3A_450 = tpu.memref_slice %arg2[%dma_wait3A_448, %dma_wait3A_449] : memref<1000000x32xf32, #tpu.memory_space<hbm>> -> memref<1000000x32xf32, #tpu.memory_space<hbm>>
    tpu.wait_indirect_dma semaphore(%arg8 : memref<!tpu.dma_semaphore, #tpu.memory_space<semaphore_mem>>) src(%dma_wait3A_450 : memref<1000000x32xf32, #tpu.memory_space<hbm>>) dst(%dma_wait3A_444 : memref<128x32xf32, #tpu.memory_space<vmem>>)
    %dma_wait3A_451 = arith.constant 3 : i32
    %dma_wait3A_452 = arith.constant 1 : i32
    %dma_wait3A_453 = arith.constant 0 : i32
    %dma_wait3A_454 = arith.constant 1 : i32
    %dma_wait3A_455 = arith.constant 128 : i32
    %dma_wait3A_456 = arith.constant 0 : i32
    %dma_wait3A_457 = tpu.memref_slice %arg7[%dma_wait3A_452, %dma_wait3A_453, %dma_wait3A_454, %dma_wait3A_455, %dma_wait3A_456] : memref<2x2x2x200x32xf32, #tpu.memory_space<vmem>> -> memref<1x1x1x72x32xf32, #tpu.memory_space<vmem>>
    %dma_wait3A_458 = tpu.memref_squeeze %dma_wait3A_457 : memref<1x1x1x72x32xf32, #tpu.memory_space<vmem>> -> memref<72x32xf32, #tpu.memory_space<vmem>>
    %dma_wait3A_459 = arith.constant 128 : i32
    %dma_wait3A_460 = tpu.memref_slice %arg6[%dma_wait3A_451, %dma_wait3A_459] : memref<128x200xi32, #tpu.memory_space<vmem>> -> memref<1x72xi32, #tpu.memory_space<vmem>>
    %dma_wait3A_461 = tpu.memref_squeeze %dma_wait3A_460 : memref<1x72xi32, #tpu.memory_space<vmem>> -> memref<72xi32, #tpu.memory_space<vmem>>
    %dma_wait3A_462 = arith.constant 0 : i32
    %dma_wait3A_463 = arith.constant 0 : i32
    %dma_wait3A_464 = tpu.memref_slice %arg2[%dma_wait3A_462, %dma_wait3A_463] : memref<1000000x32xf32, #tpu.memory_space<hbm>> -> memref<1000000x32xf32, #tpu.memory_space<hbm>>
    tpu.wait_indirect_dma semaphore(%arg8 : memref<!tpu.dma_semaphore, #tpu.memory_space<semaphore_mem>>) src(%dma_wait3A_464 : memref<1000000x32xf32, #tpu.memory_space<hbm>>) dst(%dma_wait3A_458 : memref<72x32xf32, #tpu.memory_space<vmem>>)
    %dma_wait3A_465 = arith.constant 3 : i32
    %dma_wait3A_466 = arith.constant 1 : i32
    %dma_wait3A_467 = arith.constant 1 : i32
    %dma_wait3A_468 = arith.constant 1 : i32
    %dma_wait3A_469 = arith.constant 0 : i32
    %dma_wait3A_470 = arith.constant 0 : i32
    %dma_wait3A_471 = tpu.memref_slice %arg7[%dma_wait3A_466, %dma_wait3A_467, %dma_wait3A_468, %dma_wait3A_469, %dma_wait3A_470] : memref<2x2x2x200x32xf32, #tpu.memory_space<vmem>> -> memref<1x1x1x128x32xf32, #tpu.memory_space<vmem>>
    %dma_wait3A_472 = tpu.memref_squeeze %dma_wait3A_471 : memref<1x1x1x128x32xf32, #tpu.memory_space<vmem>> -> memref<128x32xf32, #tpu.memory_space<vmem>>
    %dma_wait3A_473 = arith.constant 0 : i32
    %dma_wait3A_474 = tpu.memref_slice %arg6[%dma_wait3A_465, %dma_wait3A_473] : memref<128x200xi32, #tpu.memory_space<vmem>> -> memref<1x128xi32, #tpu.memory_space<vmem>>
    %dma_wait3A_475 = tpu.memref_squeeze %dma_wait3A_474 : memref<1x128xi32, #tpu.memory_space<vmem>> -> memref<128xi32, #tpu.memory_space<vmem>>
    %dma_wait3A_476 = arith.constant 0 : i32
    %dma_wait3A_477 = arith.constant 0 : i32
    %dma_wait3A_478 = tpu.memref_slice %arg3[%dma_wait3A_476, %dma_wait3A_477] : memref<1000000x32xf32, #tpu.memory_space<hbm>> -> memref<1000000x32xf32, #tpu.memory_space<hbm>>
    tpu.wait_indirect_dma semaphore(%arg8 : memref<!tpu.dma_semaphore, #tpu.memory_space<semaphore_mem>>) src(%dma_wait3A_478 : memref<1000000x32xf32, #tpu.memory_space<hbm>>) dst(%dma_wait3A_472 : memref<128x32xf32, #tpu.memory_space<vmem>>)
    %dma_wait3A_479 = arith.constant 3 : i32
    %dma_wait3A_480 = arith.constant 1 : i32
    %dma_wait3A_481 = arith.constant 1 : i32
    %dma_wait3A_482 = arith.constant 1 : i32
    %dma_wait3A_483 = arith.constant 128 : i32
    %dma_wait3A_484 = arith.constant 0 : i32
    %dma_wait3A_485 = tpu.memref_slice %arg7[%dma_wait3A_480, %dma_wait3A_481, %dma_wait3A_482, %dma_wait3A_483, %dma_wait3A_484] : memref<2x2x2x200x32xf32, #tpu.memory_space<vmem>> -> memref<1x1x1x72x32xf32, #tpu.memory_space<vmem>>
    %dma_wait3A_486 = tpu.memref_squeeze %dma_wait3A_485 : memref<1x1x1x72x32xf32, #tpu.memory_space<vmem>> -> memref<72x32xf32, #tpu.memory_space<vmem>>
    %dma_wait3A_487 = arith.constant 128 : i32
    %dma_wait3A_488 = tpu.memref_slice %arg6[%dma_wait3A_479, %dma_wait3A_487] : memref<128x200xi32, #tpu.memory_space<vmem>> -> memref<1x72xi32, #tpu.memory_space<vmem>>
    %dma_wait3A_489 = tpu.memref_squeeze %dma_wait3A_488 : memref<1x72xi32, #tpu.memory_space<vmem>> -> memref<72xi32, #tpu.memory_space<vmem>>
    %dma_wait3A_490 = arith.constant 0 : i32
    %dma_wait3A_491 = arith.constant 0 : i32
    %dma_wait3A_492 = tpu.memref_slice %arg3[%dma_wait3A_490, %dma_wait3A_491] : memref<1000000x32xf32, #tpu.memory_space<hbm>> -> memref<1000000x32xf32, #tpu.memory_space<hbm>>
    tpu.wait_indirect_dma semaphore(%arg8 : memref<!tpu.dma_semaphore, #tpu.memory_space<semaphore_mem>>) src(%dma_wait3A_492 : memref<1000000x32xf32, #tpu.memory_space<hbm>>) dst(%dma_wait3A_486 : memref<72x32xf32, #tpu.memory_space<vmem>>)
    %dma_start3A_493 = arith.constant 1 : i32
    %dma_start3A_494 = arith.constant 0 : i32
    %dma_start3A_495 = arith.constant 0 : i32
    %dma_start3A_496 = arith.constant 0 : i32
    %dma_start3A_497 = arith.constant 0 : i32
    %dma_start3A_498 = tpu.memref_slice %arg7[%dma_start3A_493, %dma_start3A_494, %dma_start3A_495, %dma_start3A_496, %dma_start3A_497] : memref<2x2x2x200x32xf32, #tpu.memory_space<vmem>> -> memref<1x1x2x200x32xf32, #tpu.memory_space<vmem>>
    %dma_start3A_499 = tpu.memref_squeeze %dma_start3A_498 : memref<1x1x2x200x32xf32, #tpu.memory_space<vmem>> -> memref<2x200x32xf32, #tpu.memory_space<vmem>>
    %dma_start3A_500 = arith.constant 0 : i32
    %dma_start3A_501 = arith.constant 0 : i32
    %dma_start3A_502 = tpu.memref_slice %arg5[%add3A_266, %dma_start3A_500, %dma_start3A_501] : memref<4096x200x64xf32, #tpu.memory_space<hbm>> -> memref<2x200x32xf32, #tpu.memory_space<hbm>>
    %dma_start3A_503 = arith.constant 0 : i32
    %dma_start3A_504 = arith.constant 0 : i32
    %dma_start3A_505 = tpu.memref_slice %arg5[%add3A_266, %dma_start3A_503, %dma_start3A_504] : memref<4096x200x64xf32, #tpu.memory_space<hbm>> -> memref<2x200x32xf32, #tpu.memory_space<hbm>>
    %dma_start3A_506 = arith.constant 0 : i32
    %dma_start3A_507 = arith.constant 0 : i32
    %dma_start3A_508 = arith.constant 0 : i32
    %dma_start3A_509 = tpu.memref_slice %arg7[%dma_start3A_493, %dma_start3A_494, %dma_start3A_506, %dma_start3A_507, %dma_start3A_508] : memref<2x2x2x200x32xf32, #tpu.memory_space<vmem>> -> memref<1x1x2x200x32xf32, #tpu.memory_space<vmem>>
    %dma_start3A_510 = tpu.memref_squeeze %dma_start3A_509 : memref<1x1x2x200x32xf32, #tpu.memory_space<vmem>> -> memref<2x200x32xf32, #tpu.memory_space<vmem>>
    tpu.enqueue_dma source(%dma_start3A_510 : memref<2x200x32xf32, #tpu.memory_space<vmem>>) target(%dma_start3A_505 : memref<2x200x32xf32, #tpu.memory_space<hbm>>) target_semaphore(%arg10 : memref<!tpu.dma_semaphore, #tpu.memory_space<semaphore_mem>>)
    %dma_start3A_511 = arith.constant 1 : i32
    %dma_start3A_512 = arith.constant 1 : i32
    %dma_start3A_513 = arith.constant 0 : i32
    %dma_start3A_514 = arith.constant 0 : i32
    %dma_start3A_515 = arith.constant 0 : i32
    %dma_start3A_516 = tpu.memref_slice %arg7[%dma_start3A_511, %dma_start3A_512, %dma_start3A_513, %dma_start3A_514, %dma_start3A_515] : memref<2x2x2x200x32xf32, #tpu.memory_space<vmem>> -> memref<1x1x2x200x32xf32, #tpu.memory_space<vmem>>
    %dma_start3A_517 = tpu.memref_squeeze %dma_start3A_516 : memref<1x1x2x200x32xf32, #tpu.memory_space<vmem>> -> memref<2x200x32xf32, #tpu.memory_space<vmem>>
    %dma_start3A_518 = arith.constant 0 : i32
    %dma_start3A_519 = arith.constant 32 : i32
    %dma_start3A_520 = tpu.memref_slice %arg5[%add3A_268, %dma_start3A_518, %dma_start3A_519] : memref<4096x200x64xf32, #tpu.memory_space<hbm>> -> memref<2x200x32xf32, #tpu.memory_space<hbm>>
    %dma_start3A_521 = arith.constant 0 : i32
    %dma_start3A_522 = arith.constant 32 : i32
    %dma_start3A_523 = tpu.memref_slice %arg5[%add3A_268, %dma_start3A_521, %dma_start3A_522] : memref<4096x200x64xf32, #tpu.memory_space<hbm>> -> memref<2x200x32xf32, #tpu.memory_space<hbm>>
    %dma_start3A_524 = arith.constant 0 : i32
    %dma_start3A_525 = arith.constant 0 : i32
    %dma_start3A_526 = arith.constant 0 : i32
    %dma_start3A_527 = tpu.memref_slice %arg7[%dma_start3A_511, %dma_start3A_512, %dma_start3A_524, %dma_start3A_525, %dma_start3A_526] : memref<2x2x2x200x32xf32, #tpu.memory_space<vmem>> -> memref<1x1x2x200x32xf32, #tpu.memory_space<vmem>>
    %dma_start3A_528 = tpu.memref_squeeze %dma_start3A_527 : memref<1x1x2x200x32xf32, #tpu.memory_space<vmem>> -> memref<2x200x32xf32, #tpu.memory_space<vmem>>
    tpu.enqueue_dma source(%dma_start3A_528 : memref<2x200x32xf32, #tpu.memory_space<vmem>>) target(%dma_start3A_523 : memref<2x200x32xf32, #tpu.memory_space<hbm>>) target_semaphore(%arg12 : memref<!tpu.dma_semaphore, #tpu.memory_space<semaphore_mem>>)
    %scan3A = arith.constant 0 : i32
    %scan3A_529 = arith.constant 1 : i32
    %scan3A_530 = arith.constant 31 : i32
    %scan3A_531 = arith.addi %scan3A_529, %scan3A_530 : i32
    %scan3A_532 = arith.constant 1 : i32
    scf.for %scan3A_606 = %scan3A_529 to %scan3A_531 step %scan3A_532  : i32 {
      %mul3A_607 = arith.constant 2 : i32
      %mul3A_608 = arith.muli %scan3A_606, %mul3A_607 : i32
      %add3A_609 = arith.constant 0 : i32
      %add3A_610 = arith.addi %mul3A_608, %add3A_609 : i32
      %mul3A_611 = arith.constant 2 : i32
      %mul3A_612 = arith.muli %add3A_610, %mul3A_611 : i32
      %add3A_613 = arith.addi %mul3A_2, %mul3A_612 : i32
      %mul3A_614 = arith.constant 2 : i32
      %mul3A_615 = arith.muli %add3A_610, %mul3A_614 : i32
      %add3A_616 = arith.addi %mul3A_2, %mul3A_615 : i32
      %dma_wait3A_617 = arith.constant 0 : i32
      %dma_wait3A_618 = arith.constant 0 : i32
      %dma_wait3A_619 = arith.constant 0 : i32
      %dma_wait3A_620 = arith.constant 0 : i32
      %dma_wait3A_621 = arith.constant 0 : i32
      %dma_wait3A_622 = tpu.memref_slice %arg7[%dma_wait3A_617, %dma_wait3A_618, %dma_wait3A_619, %dma_wait3A_620, %dma_wait3A_621] : memref<2x2x2x200x32xf32, #tpu.memory_space<vmem>> -> memref<1x1x2x200x32xf32, #tpu.memory_space<vmem>>
      %dma_wait3A_623 = tpu.memref_squeeze %dma_wait3A_622 : memref<1x1x2x200x32xf32, #tpu.memory_space<vmem>> -> memref<2x200x32xf32, #tpu.memory_space<vmem>>
      %dma_wait3A_624 = arith.constant 0 : i32
      %dma_wait3A_625 = arith.constant 0 : i32
      %dma_wait3A_626 = tpu.memref_slice %arg5[%add3A_613, %dma_wait3A_624, %dma_wait3A_625] : memref<4096x200x64xf32, #tpu.memory_space<hbm>> -> memref<2x200x32xf32, #tpu.memory_space<hbm>>
      %dma_wait3A_627 = arith.constant 0 : i32
      %dma_wait3A_628 = arith.constant 0 : i32
      %dma_wait3A_629 = tpu.memref_slice %arg5[%add3A_613, %dma_wait3A_627, %dma_wait3A_628] : memref<4096x200x64xf32, #tpu.memory_space<hbm>> -> memref<2x200x32xf32, #tpu.memory_space<hbm>>
      %dma_wait3A_630 = arith.constant 0 : i32
      %dma_wait3A_631 = arith.constant 0 : i32
      %dma_wait3A_632 = arith.constant 0 : i32
      %dma_wait3A_633 = tpu.memref_slice %arg7[%dma_wait3A_617, %dma_wait3A_618, %dma_wait3A_630, %dma_wait3A_631, %dma_wait3A_632] : memref<2x2x2x200x32xf32, #tpu.memory_space<vmem>> -> memref<1x1x2x200x32xf32, #tpu.memory_space<vmem>>
      %dma_wait3A_634 = tpu.memref_squeeze %dma_wait3A_633 : memref<1x1x2x200x32xf32, #tpu.memory_space<vmem>> -> memref<2x200x32xf32, #tpu.memory_space<vmem>>
      tpu.wait_dma2 semaphore(%arg9 : memref<!tpu.dma_semaphore, #tpu.memory_space<semaphore_mem>>) src(%dma_wait3A_634 : memref<2x200x32xf32, #tpu.memory_space<vmem>>) dst(%dma_wait3A_629 : memref<2x200x32xf32, #tpu.memory_space<hbm>>)
      %dma_wait3A_635 = arith.constant 0 : i32
      %dma_wait3A_636 = arith.constant 1 : i32
      %dma_wait3A_637 = arith.constant 0 : i32
      %dma_wait3A_638 = arith.constant 0 : i32
      %dma_wait3A_639 = arith.constant 0 : i32
      %dma_wait3A_640 = tpu.memref_slice %arg7[%dma_wait3A_635, %dma_wait3A_636, %dma_wait3A_637, %dma_wait3A_638, %dma_wait3A_639] : memref<2x2x2x200x32xf32, #tpu.memory_space<vmem>> -> memref<1x1x2x200x32xf32, #tpu.memory_space<vmem>>
      %dma_wait3A_641 = tpu.memref_squeeze %dma_wait3A_640 : memref<1x1x2x200x32xf32, #tpu.memory_space<vmem>> -> memref<2x200x32xf32, #tpu.memory_space<vmem>>
      %dma_wait3A_642 = arith.constant 0 : i32
      %dma_wait3A_643 = arith.constant 32 : i32
      %dma_wait3A_644 = tpu.memref_slice %arg5[%add3A_616, %dma_wait3A_642, %dma_wait3A_643] : memref<4096x200x64xf32, #tpu.memory_space<hbm>> -> memref<2x200x32xf32, #tpu.memory_space<hbm>>
      %dma_wait3A_645 = arith.constant 0 : i32
      %dma_wait3A_646 = arith.constant 32 : i32
      %dma_wait3A_647 = tpu.memref_slice %arg5[%add3A_616, %dma_wait3A_645, %dma_wait3A_646] : memref<4096x200x64xf32, #tpu.memory_space<hbm>> -> memref<2x200x32xf32, #tpu.memory_space<hbm>>
      %dma_wait3A_648 = arith.constant 0 : i32
      %dma_wait3A_649 = arith.constant 0 : i32
      %dma_wait3A_650 = arith.constant 0 : i32
      %dma_wait3A_651 = tpu.memref_slice %arg7[%dma_wait3A_635, %dma_wait3A_636, %dma_wait3A_648, %dma_wait3A_649, %dma_wait3A_650] : memref<2x2x2x200x32xf32, #tpu.memory_space<vmem>> -> memref<1x1x2x200x32xf32, #tpu.memory_space<vmem>>
      %dma_wait3A_652 = tpu.memref_squeeze %dma_wait3A_651 : memref<1x1x2x200x32xf32, #tpu.memory_space<vmem>> -> memref<2x200x32xf32, #tpu.memory_space<vmem>>
      tpu.wait_dma2 semaphore(%arg11 : memref<!tpu.dma_semaphore, #tpu.memory_space<semaphore_mem>>) src(%dma_wait3A_652 : memref<2x200x32xf32, #tpu.memory_space<vmem>>) dst(%dma_wait3A_647 : memref<2x200x32xf32, #tpu.memory_space<hbm>>)
      %mul3A_653 = arith.constant 2 : i32
      %mul3A_654 = arith.muli %add3A_610, %mul3A_653 : i32
      %add3A_655 = arith.constant 0 : i32
      %add3A_656 = arith.addi %mul3A_654, %add3A_655 : i32
      %dma_start3A_657 = arith.constant 0 : i32
      %dma_start3A_658 = arith.constant 0 : i32
      %dma_start3A_659 = arith.constant 0 : i32
      %dma_start3A_660 = arith.constant 0 : i32
      %dma_start3A_661 = arith.constant 0 : i32
      %dma_start3A_662 = tpu.memref_slice %arg7[%dma_start3A_657, %dma_start3A_658, %dma_start3A_659, %dma_start3A_660, %dma_start3A_661] : memref<2x2x2x200x32xf32, #tpu.memory_space<vmem>> -> memref<1x1x1x128x32xf32, #tpu.memory_space<vmem>>
      %dma_start3A_663 = tpu.memref_squeeze %dma_start3A_662 : memref<1x1x1x128x32xf32, #tpu.memory_space<vmem>> -> memref<128x32xf32, #tpu.memory_space<vmem>>
      %dma_start3A_664 = arith.constant 0 : i32
      %dma_start3A_665 = tpu.memref_slice %arg6[%add3A_656, %dma_start3A_664] : memref<128x200xi32, #tpu.memory_space<vmem>> -> memref<1x128xi32, #tpu.memory_space<vmem>>
      %dma_start3A_666 = tpu.memref_squeeze %dma_start3A_665 : memref<1x128xi32, #tpu.memory_space<vmem>> -> memref<128xi32, #tpu.memory_space<vmem>>
      %dma_start3A_667 = arith.constant 0 : i32
      %dma_start3A_668 = arith.constant 0 : i32
      %dma_start3A_669 = tpu.memref_slice %arg2[%dma_start3A_667, %dma_start3A_668] : memref<1000000x32xf32, #tpu.memory_space<hbm>> -> memref<1000000x32xf32, #tpu.memory_space<hbm>>
      tpu.enqueue_indirect_dma source(%dma_start3A_669 : memref<1000000x32xf32, #tpu.memory_space<hbm>>) target(%dma_start3A_663 : memref<128x32xf32, #tpu.memory_space<vmem>>) offsets(%dma_start3A_666 : memref<128xi32, #tpu.memory_space<vmem>>) semaphore(%arg8 : memref<!tpu.dma_semaphore, #tpu.memory_space<semaphore_mem>>)
      %dma_start3A_670 = arith.constant 0 : i32
      %dma_start3A_671 = arith.constant 0 : i32
      %dma_start3A_672 = arith.constant 0 : i32
      %dma_start3A_673 = arith.constant 128 : i32
      %dma_start3A_674 = arith.constant 0 : i32
      %dma_start3A_675 = tpu.memref_slice %arg7[%dma_start3A_670, %dma_start3A_671, %dma_start3A_672, %dma_start3A_673, %dma_start3A_674] : memref<2x2x2x200x32xf32, #tpu.memory_space<vmem>> -> memref<1x1x1x72x32xf32, #tpu.memory_space<vmem>>
      %dma_start3A_676 = tpu.memref_squeeze %dma_start3A_675 : memref<1x1x1x72x32xf32, #tpu.memory_space<vmem>> -> memref<72x32xf32, #tpu.memory_space<vmem>>
      %dma_start3A_677 = arith.constant 128 : i32
      %dma_start3A_678 = tpu.memref_slice %arg6[%add3A_656, %dma_start3A_677] : memref<128x200xi32, #tpu.memory_space<vmem>> -> memref<1x72xi32, #tpu.memory_space<vmem>>
      %dma_start3A_679 = tpu.memref_squeeze %dma_start3A_678 : memref<1x72xi32, #tpu.memory_space<vmem>> -> memref<72xi32, #tpu.memory_space<vmem>>
      %dma_start3A_680 = arith.constant 0 : i32
      %dma_start3A_681 = arith.constant 0 : i32
      %dma_start3A_682 = tpu.memref_slice %arg2[%dma_start3A_680, %dma_start3A_681] : memref<1000000x32xf32, #tpu.memory_space<hbm>> -> memref<1000000x32xf32, #tpu.memory_space<hbm>>
      tpu.enqueue_indirect_dma source(%dma_start3A_682 : memref<1000000x32xf32, #tpu.memory_space<hbm>>) target(%dma_start3A_676 : memref<72x32xf32, #tpu.memory_space<vmem>>) offsets(%dma_start3A_679 : memref<72xi32, #tpu.memory_space<vmem>>) semaphore(%arg8 : memref<!tpu.dma_semaphore, #tpu.memory_space<semaphore_mem>>)
      %dma_start3A_683 = arith.constant 0 : i32
      %dma_start3A_684 = arith.constant 1 : i32
      %dma_start3A_685 = arith.constant 0 : i32
      %dma_start3A_686 = arith.constant 0 : i32
      %dma_start3A_687 = arith.constant 0 : i32
      %dma_start3A_688 = tpu.memref_slice %arg7[%dma_start3A_683, %dma_start3A_684, %dma_start3A_685, %dma_start3A_686, %dma_start3A_687] : memref<2x2x2x200x32xf32, #tpu.memory_space<vmem>> -> memref<1x1x1x128x32xf32, #tpu.memory_space<vmem>>
      %dma_start3A_689 = tpu.memref_squeeze %dma_start3A_688 : memref<1x1x1x128x32xf32, #tpu.memory_space<vmem>> -> memref<128x32xf32, #tpu.memory_space<vmem>>
      %dma_start3A_690 = arith.constant 0 : i32
      %dma_start3A_691 = tpu.memref_slice %arg6[%add3A_656, %dma_start3A_690] : memref<128x200xi32, #tpu.memory_space<vmem>> -> memref<1x128xi32, #tpu.memory_space<vmem>>
      %dma_start3A_692 = tpu.memref_squeeze %dma_start3A_691 : memref<1x128xi32, #tpu.memory_space<vmem>> -> memref<128xi32, #tpu.memory_space<vmem>>
      %dma_start3A_693 = arith.constant 0 : i32
      %dma_start3A_694 = arith.constant 0 : i32
      %dma_start3A_695 = tpu.memref_slice %arg3[%dma_start3A_693, %dma_start3A_694] : memref<1000000x32xf32, #tpu.memory_space<hbm>> -> memref<1000000x32xf32, #tpu.memory_space<hbm>>
      tpu.enqueue_indirect_dma source(%dma_start3A_695 : memref<1000000x32xf32, #tpu.memory_space<hbm>>) target(%dma_start3A_689 : memref<128x32xf32, #tpu.memory_space<vmem>>) offsets(%dma_start3A_692 : memref<128xi32, #tpu.memory_space<vmem>>) semaphore(%arg8 : memref<!tpu.dma_semaphore, #tpu.memory_space<semaphore_mem>>)
      %dma_start3A_696 = arith.constant 0 : i32
      %dma_start3A_697 = arith.constant 1 : i32
      %dma_start3A_698 = arith.constant 0 : i32
      %dma_start3A_699 = arith.constant 128 : i32
      %dma_start3A_700 = arith.constant 0 : i32
      %dma_start3A_701 = tpu.memref_slice %arg7[%dma_start3A_696, %dma_start3A_697, %dma_start3A_698, %dma_start3A_699, %dma_start3A_700] : memref<2x2x2x200x32xf32, #tpu.memory_space<vmem>> -> memref<1x1x1x72x32xf32, #tpu.memory_space<vmem>>
      %dma_start3A_702 = tpu.memref_squeeze %dma_start3A_701 : memref<1x1x1x72x32xf32, #tpu.memory_space<vmem>> -> memref<72x32xf32, #tpu.memory_space<vmem>>
      %dma_start3A_703 = arith.constant 128 : i32
      %dma_start3A_704 = tpu.memref_slice %arg6[%add3A_656, %dma_start3A_703] : memref<128x200xi32, #tpu.memory_space<vmem>> -> memref<1x72xi32, #tpu.memory_space<vmem>>
      %dma_start3A_705 = tpu.memref_squeeze %dma_start3A_704 : memref<1x72xi32, #tpu.memory_space<vmem>> -> memref<72xi32, #tpu.memory_space<vmem>>
      %dma_start3A_706 = arith.constant 0 : i32
      %dma_start3A_707 = arith.constant 0 : i32
      %dma_start3A_708 = tpu.memref_slice %arg3[%dma_start3A_706, %dma_start3A_707] : memref<1000000x32xf32, #tpu.memory_space<hbm>> -> memref<1000000x32xf32, #tpu.memory_space<hbm>>
      tpu.enqueue_indirect_dma source(%dma_start3A_708 : memref<1000000x32xf32, #tpu.memory_space<hbm>>) target(%dma_start3A_702 : memref<72x32xf32, #tpu.memory_space<vmem>>) offsets(%dma_start3A_705 : memref<72xi32, #tpu.memory_space<vmem>>) semaphore(%arg8 : memref<!tpu.dma_semaphore, #tpu.memory_space<semaphore_mem>>)
      %mul3A_709 = arith.constant 2 : i32
      %mul3A_710 = arith.muli %add3A_610, %mul3A_709 : i32
      %add3A_711 = arith.constant 1 : i32
      %add3A_712 = arith.addi %mul3A_710, %add3A_711 : i32
      %dma_start3A_713 = arith.constant 0 : i32
      %dma_start3A_714 = arith.constant 0 : i32
      %dma_start3A_715 = arith.constant 1 : i32
      %dma_start3A_716 = arith.constant 0 : i32
      %dma_start3A_717 = arith.constant 0 : i32
      %dma_start3A_718 = tpu.memref_slice %arg7[%dma_start3A_713, %dma_start3A_714, %dma_start3A_715, %dma_start3A_716, %dma_start3A_717] : memref<2x2x2x200x32xf32, #tpu.memory_space<vmem>> -> memref<1x1x1x128x32xf32, #tpu.memory_space<vmem>>
      %dma_start3A_719 = tpu.memref_squeeze %dma_start3A_718 : memref<1x1x1x128x32xf32, #tpu.memory_space<vmem>> -> memref<128x32xf32, #tpu.memory_space<vmem>>
      %dma_start3A_720 = arith.constant 0 : i32
      %dma_start3A_721 = tpu.memref_slice %arg6[%add3A_712, %dma_start3A_720] : memref<128x200xi32, #tpu.memory_space<vmem>> -> memref<1x128xi32, #tpu.memory_space<vmem>>
      %dma_start3A_722 = tpu.memref_squeeze %dma_start3A_721 : memref<1x128xi32, #tpu.memory_space<vmem>> -> memref<128xi32, #tpu.memory_space<vmem>>
      %dma_start3A_723 = arith.constant 0 : i32
      %dma_start3A_724 = arith.constant 0 : i32
      %dma_start3A_725 = tpu.memref_slice %arg2[%dma_start3A_723, %dma_start3A_724] : memref<1000000x32xf32, #tpu.memory_space<hbm>> -> memref<1000000x32xf32, #tpu.memory_space<hbm>>
      tpu.enqueue_indirect_dma source(%dma_start3A_725 : memref<1000000x32xf32, #tpu.memory_space<hbm>>) target(%dma_start3A_719 : memref<128x32xf32, #tpu.memory_space<vmem>>) offsets(%dma_start3A_722 : memref<128xi32, #tpu.memory_space<vmem>>) semaphore(%arg8 : memref<!tpu.dma_semaphore, #tpu.memory_space<semaphore_mem>>)
      %dma_start3A_726 = arith.constant 0 : i32
      %dma_start3A_727 = arith.constant 0 : i32
      %dma_start3A_728 = arith.constant 1 : i32
      %dma_start3A_729 = arith.constant 128 : i32
      %dma_start3A_730 = arith.constant 0 : i32
      %dma_start3A_731 = tpu.memref_slice %arg7[%dma_start3A_726, %dma_start3A_727, %dma_start3A_728, %dma_start3A_729, %dma_start3A_730] : memref<2x2x2x200x32xf32, #tpu.memory_space<vmem>> -> memref<1x1x1x72x32xf32, #tpu.memory_space<vmem>>
      %dma_start3A_732 = tpu.memref_squeeze %dma_start3A_731 : memref<1x1x1x72x32xf32, #tpu.memory_space<vmem>> -> memref<72x32xf32, #tpu.memory_space<vmem>>
      %dma_start3A_733 = arith.constant 128 : i32
      %dma_start3A_734 = tpu.memref_slice %arg6[%add3A_712, %dma_start3A_733] : memref<128x200xi32, #tpu.memory_space<vmem>> -> memref<1x72xi32, #tpu.memory_space<vmem>>
      %dma_start3A_735 = tpu.memref_squeeze %dma_start3A_734 : memref<1x72xi32, #tpu.memory_space<vmem>> -> memref<72xi32, #tpu.memory_space<vmem>>
      %dma_start3A_736 = arith.constant 0 : i32
      %dma_start3A_737 = arith.constant 0 : i32
      %dma_start3A_738 = tpu.memref_slice %arg2[%dma_start3A_736, %dma_start3A_737] : memref<1000000x32xf32, #tpu.memory_space<hbm>> -> memref<1000000x32xf32, #tpu.memory_space<hbm>>
      tpu.enqueue_indirect_dma source(%dma_start3A_738 : memref<1000000x32xf32, #tpu.memory_space<hbm>>) target(%dma_start3A_732 : memref<72x32xf32, #tpu.memory_space<vmem>>) offsets(%dma_start3A_735 : memref<72xi32, #tpu.memory_space<vmem>>) semaphore(%arg8 : memref<!tpu.dma_semaphore, #tpu.memory_space<semaphore_mem>>)
      %dma_start3A_739 = arith.constant 0 : i32
      %dma_start3A_740 = arith.constant 1 : i32
      %dma_start3A_741 = arith.constant 1 : i32
      %dma_start3A_742 = arith.constant 0 : i32
      %dma_start3A_743 = arith.constant 0 : i32
      %dma_start3A_744 = tpu.memref_slice %arg7[%dma_start3A_739, %dma_start3A_740, %dma_start3A_741, %dma_start3A_742, %dma_start3A_743] : memref<2x2x2x200x32xf32, #tpu.memory_space<vmem>> -> memref<1x1x1x128x32xf32, #tpu.memory_space<vmem>>
      %dma_start3A_745 = tpu.memref_squeeze %dma_start3A_744 : memref<1x1x1x128x32xf32, #tpu.memory_space<vmem>> -> memref<128x32xf32, #tpu.memory_space<vmem>>
      %dma_start3A_746 = arith.constant 0 : i32
      %dma_start3A_747 = tpu.memref_slice %arg6[%add3A_712, %dma_start3A_746] : memref<128x200xi32, #tpu.memory_space<vmem>> -> memref<1x128xi32, #tpu.memory_space<vmem>>
      %dma_start3A_748 = tpu.memref_squeeze %dma_start3A_747 : memref<1x128xi32, #tpu.memory_space<vmem>> -> memref<128xi32, #tpu.memory_space<vmem>>
      %dma_start3A_749 = arith.constant 0 : i32
      %dma_start3A_750 = arith.constant 0 : i32
      %dma_start3A_751 = tpu.memref_slice %arg3[%dma_start3A_749, %dma_start3A_750] : memref<1000000x32xf32, #tpu.memory_space<hbm>> -> memref<1000000x32xf32, #tpu.memory_space<hbm>>
      tpu.enqueue_indirect_dma source(%dma_start3A_751 : memref<1000000x32xf32, #tpu.memory_space<hbm>>) target(%dma_start3A_745 : memref<128x32xf32, #tpu.memory_space<vmem>>) offsets(%dma_start3A_748 : memref<128xi32, #tpu.memory_space<vmem>>) semaphore(%arg8 : memref<!tpu.dma_semaphore, #tpu.memory_space<semaphore_mem>>)
      %dma_start3A_752 = arith.constant 0 : i32
      %dma_start3A_753 = arith.constant 1 : i32
      %dma_start3A_754 = arith.constant 1 : i32
      %dma_start3A_755 = arith.constant 128 : i32
      %dma_start3A_756 = arith.constant 0 : i32
      %dma_start3A_757 = tpu.memref_slice %arg7[%dma_start3A_752, %dma_start3A_753, %dma_start3A_754, %dma_start3A_755, %dma_start3A_756] : memref<2x2x2x200x32xf32, #tpu.memory_space<vmem>> -> memref<1x1x1x72x32xf32, #tpu.memory_space<vmem>>
      %dma_start3A_758 = tpu.memref_squeeze %dma_start3A_757 : memref<1x1x1x72x32xf32, #tpu.memory_space<vmem>> -> memref<72x32xf32, #tpu.memory_space<vmem>>
      %dma_start3A_759 = arith.constant 128 : i32
      %dma_start3A_760 = tpu.memref_slice %arg6[%add3A_712, %dma_start3A_759] : memref<128x200xi32, #tpu.memory_space<vmem>> -> memref<1x72xi32, #tpu.memory_space<vmem>>
      %dma_start3A_761 = tpu.memref_squeeze %dma_start3A_760 : memref<1x72xi32, #tpu.memory_space<vmem>> -> memref<72xi32, #tpu.memory_space<vmem>>
      %dma_start3A_762 = arith.constant 0 : i32
      %dma_start3A_763 = arith.constant 0 : i32
      %dma_start3A_764 = tpu.memref_slice %arg3[%dma_start3A_762, %dma_start3A_763] : memref<1000000x32xf32, #tpu.memory_space<hbm>> -> memref<1000000x32xf32, #tpu.memory_space<hbm>>
      tpu.enqueue_indirect_dma source(%dma_start3A_764 : memref<1000000x32xf32, #tpu.memory_space<hbm>>) target(%dma_start3A_758 : memref<72x32xf32, #tpu.memory_space<vmem>>) offsets(%dma_start3A_761 : memref<72xi32, #tpu.memory_space<vmem>>) semaphore(%arg8 : memref<!tpu.dma_semaphore, #tpu.memory_space<semaphore_mem>>)
      %dma_wait3A_765 = arith.constant 0 : i32
      %dma_wait3A_766 = arith.constant 0 : i32
      %dma_wait3A_767 = arith.constant 0 : i32
      %dma_wait3A_768 = arith.constant 0 : i32
      %dma_wait3A_769 = arith.constant 0 : i32
      %dma_wait3A_770 = tpu.memref_slice %arg7[%dma_wait3A_765, %dma_wait3A_766, %dma_wait3A_767, %dma_wait3A_768, %dma_wait3A_769] : memref<2x2x2x200x32xf32, #tpu.memory_space<vmem>> -> memref<1x1x1x128x32xf32, #tpu.memory_space<vmem>>
      %dma_wait3A_771 = tpu.memref_squeeze %dma_wait3A_770 : memref<1x1x1x128x32xf32, #tpu.memory_space<vmem>> -> memref<128x32xf32, #tpu.memory_space<vmem>>
      %dma_wait3A_772 = arith.constant 0 : i32
      %dma_wait3A_773 = tpu.memref_slice %arg6[%add3A_656, %dma_wait3A_772] : memref<128x200xi32, #tpu.memory_space<vmem>> -> memref<1x128xi32, #tpu.memory_space<vmem>>
      %dma_wait3A_774 = tpu.memref_squeeze %dma_wait3A_773 : memref<1x128xi32, #tpu.memory_space<vmem>> -> memref<128xi32, #tpu.memory_space<vmem>>
      %dma_wait3A_775 = arith.constant 0 : i32
      %dma_wait3A_776 = arith.constant 0 : i32
      %dma_wait3A_777 = tpu.memref_slice %arg2[%dma_wait3A_775, %dma_wait3A_776] : memref<1000000x32xf32, #tpu.memory_space<hbm>> -> memref<1000000x32xf32, #tpu.memory_space<hbm>>
      tpu.wait_indirect_dma semaphore(%arg8 : memref<!tpu.dma_semaphore, #tpu.memory_space<semaphore_mem>>) src(%dma_wait3A_777 : memref<1000000x32xf32, #tpu.memory_space<hbm>>) dst(%dma_wait3A_771 : memref<128x32xf32, #tpu.memory_space<vmem>>)
      %dma_wait3A_778 = arith.constant 0 : i32
      %dma_wait3A_779 = arith.constant 0 : i32
      %dma_wait3A_780 = arith.constant 0 : i32
      %dma_wait3A_781 = arith.constant 128 : i32
      %dma_wait3A_782 = arith.constant 0 : i32
      %dma_wait3A_783 = tpu.memref_slice %arg7[%dma_wait3A_778, %dma_wait3A_779, %dma_wait3A_780, %dma_wait3A_781, %dma_wait3A_782] : memref<2x2x2x200x32xf32, #tpu.memory_space<vmem>> -> memref<1x1x1x72x32xf32, #tpu.memory_space<vmem>>
      %dma_wait3A_784 = tpu.memref_squeeze %dma_wait3A_783 : memref<1x1x1x72x32xf32, #tpu.memory_space<vmem>> -> memref<72x32xf32, #tpu.memory_space<vmem>>
      %dma_wait3A_785 = arith.constant 128 : i32
      %dma_wait3A_786 = tpu.memref_slice %arg6[%add3A_656, %dma_wait3A_785] : memref<128x200xi32, #tpu.memory_space<vmem>> -> memref<1x72xi32, #tpu.memory_space<vmem>>
      %dma_wait3A_787 = tpu.memref_squeeze %dma_wait3A_786 : memref<1x72xi32, #tpu.memory_space<vmem>> -> memref<72xi32, #tpu.memory_space<vmem>>
      %dma_wait3A_788 = arith.constant 0 : i32
      %dma_wait3A_789 = arith.constant 0 : i32
      %dma_wait3A_790 = tpu.memref_slice %arg2[%dma_wait3A_788, %dma_wait3A_789] : memref<1000000x32xf32, #tpu.memory_space<hbm>> -> memref<1000000x32xf32, #tpu.memory_space<hbm>>
      tpu.wait_indirect_dma semaphore(%arg8 : memref<!tpu.dma_semaphore, #tpu.memory_space<semaphore_mem>>) src(%dma_wait3A_790 : memref<1000000x32xf32, #tpu.memory_space<hbm>>) dst(%dma_wait3A_784 : memref<72x32xf32, #tpu.memory_space<vmem>>)
      %dma_wait3A_791 = arith.constant 0 : i32
      %dma_wait3A_792 = arith.constant 1 : i32
      %dma_wait3A_793 = arith.constant 0 : i32
      %dma_wait3A_794 = arith.constant 0 : i32
      %dma_wait3A_795 = arith.constant 0 : i32
      %dma_wait3A_796 = tpu.memref_slice %arg7[%dma_wait3A_791, %dma_wait3A_792, %dma_wait3A_793, %dma_wait3A_794, %dma_wait3A_795] : memref<2x2x2x200x32xf32, #tpu.memory_space<vmem>> -> memref<1x1x1x128x32xf32, #tpu.memory_space<vmem>>
      %dma_wait3A_797 = tpu.memref_squeeze %dma_wait3A_796 : memref<1x1x1x128x32xf32, #tpu.memory_space<vmem>> -> memref<128x32xf32, #tpu.memory_space<vmem>>
      %dma_wait3A_798 = arith.constant 0 : i32
      %dma_wait3A_799 = tpu.memref_slice %arg6[%add3A_656, %dma_wait3A_798] : memref<128x200xi32, #tpu.memory_space<vmem>> -> memref<1x128xi32, #tpu.memory_space<vmem>>
      %dma_wait3A_800 = tpu.memref_squeeze %dma_wait3A_799 : memref<1x128xi32, #tpu.memory_space<vmem>> -> memref<128xi32, #tpu.memory_space<vmem>>
      %dma_wait3A_801 = arith.constant 0 : i32
      %dma_wait3A_802 = arith.constant 0 : i32
      %dma_wait3A_803 = tpu.memref_slice %arg3[%dma_wait3A_801, %dma_wait3A_802] : memref<1000000x32xf32, #tpu.memory_space<hbm>> -> memref<1000000x32xf32, #tpu.memory_space<hbm>>
      tpu.wait_indirect_dma semaphore(%arg8 : memref<!tpu.dma_semaphore, #tpu.memory_space<semaphore_mem>>) src(%dma_wait3A_803 : memref<1000000x32xf32, #tpu.memory_space<hbm>>) dst(%dma_wait3A_797 : memref<128x32xf32, #tpu.memory_space<vmem>>)
      %dma_wait3A_804 = arith.constant 0 : i32
      %dma_wait3A_805 = arith.constant 1 : i32
      %dma_wait3A_806 = arith.constant 0 : i32
      %dma_wait3A_807 = arith.constant 128 : i32
      %dma_wait3A_808 = arith.constant 0 : i32
      %dma_wait3A_809 = tpu.memref_slice %arg7[%dma_wait3A_804, %dma_wait3A_805, %dma_wait3A_806, %dma_wait3A_807, %dma_wait3A_808] : memref<2x2x2x200x32xf32, #tpu.memory_space<vmem>> -> memref<1x1x1x72x32xf32, #tpu.memory_space<vmem>>
      %dma_wait3A_810 = tpu.memref_squeeze %dma_wait3A_809 : memref<1x1x1x72x32xf32, #tpu.memory_space<vmem>> -> memref<72x32xf32, #tpu.memory_space<vmem>>
      %dma_wait3A_811 = arith.constant 128 : i32
      %dma_wait3A_812 = tpu.memref_slice %arg6[%add3A_656, %dma_wait3A_811] : memref<128x200xi32, #tpu.memory_space<vmem>> -> memref<1x72xi32, #tpu.memory_space<vmem>>
      %dma_wait3A_813 = tpu.memref_squeeze %dma_wait3A_812 : memref<1x72xi32, #tpu.memory_space<vmem>> -> memref<72xi32, #tpu.memory_space<vmem>>
      %dma_wait3A_814 = arith.constant 0 : i32
      %dma_wait3A_815 = arith.constant 0 : i32
      %dma_wait3A_816 = tpu.memref_slice %arg3[%dma_wait3A_814, %dma_wait3A_815] : memref<1000000x32xf32, #tpu.memory_space<hbm>> -> memref<1000000x32xf32, #tpu.memory_space<hbm>>
      tpu.wait_indirect_dma semaphore(%arg8 : memref<!tpu.dma_semaphore, #tpu.memory_space<semaphore_mem>>) src(%dma_wait3A_816 : memref<1000000x32xf32, #tpu.memory_space<hbm>>) dst(%dma_wait3A_810 : memref<72x32xf32, #tpu.memory_space<vmem>>)
      %dma_wait3A_817 = arith.constant 0 : i32
      %dma_wait3A_818 = arith.constant 0 : i32
      %dma_wait3A_819 = arith.constant 1 : i32
      %dma_wait3A_820 = arith.constant 0 : i32
      %dma_wait3A_821 = arith.constant 0 : i32
      %dma_wait3A_822 = tpu.memref_slice %arg7[%dma_wait3A_817, %dma_wait3A_818, %dma_wait3A_819, %dma_wait3A_820, %dma_wait3A_821] : memref<2x2x2x200x32xf32, #tpu.memory_space<vmem>> -> memref<1x1x1x128x32xf32, #tpu.memory_space<vmem>>
      %dma_wait3A_823 = tpu.memref_squeeze %dma_wait3A_822 : memref<1x1x1x128x32xf32, #tpu.memory_space<vmem>> -> memref<128x32xf32, #tpu.memory_space<vmem>>
      %dma_wait3A_824 = arith.constant 0 : i32
      %dma_wait3A_825 = tpu.memref_slice %arg6[%add3A_712, %dma_wait3A_824] : memref<128x200xi32, #tpu.memory_space<vmem>> -> memref<1x128xi32, #tpu.memory_space<vmem>>
      %dma_wait3A_826 = tpu.memref_squeeze %dma_wait3A_825 : memref<1x128xi32, #tpu.memory_space<vmem>> -> memref<128xi32, #tpu.memory_space<vmem>>
      %dma_wait3A_827 = arith.constant 0 : i32
      %dma_wait3A_828 = arith.constant 0 : i32
      %dma_wait3A_829 = tpu.memref_slice %arg2[%dma_wait3A_827, %dma_wait3A_828] : memref<1000000x32xf32, #tpu.memory_space<hbm>> -> memref<1000000x32xf32, #tpu.memory_space<hbm>>
      tpu.wait_indirect_dma semaphore(%arg8 : memref<!tpu.dma_semaphore, #tpu.memory_space<semaphore_mem>>) src(%dma_wait3A_829 : memref<1000000x32xf32, #tpu.memory_space<hbm>>) dst(%dma_wait3A_823 : memref<128x32xf32, #tpu.memory_space<vmem>>)
      %dma_wait3A_830 = arith.constant 0 : i32
      %dma_wait3A_831 = arith.constant 0 : i32
      %dma_wait3A_832 = arith.constant 1 : i32
      %dma_wait3A_833 = arith.constant 128 : i32
      %dma_wait3A_834 = arith.constant 0 : i32
      %dma_wait3A_835 = tpu.memref_slice %arg7[%dma_wait3A_830, %dma_wait3A_831, %dma_wait3A_832, %dma_wait3A_833, %dma_wait3A_834] : memref<2x2x2x200x32xf32, #tpu.memory_space<vmem>> -> memref<1x1x1x72x32xf32, #tpu.memory_space<vmem>>
      %dma_wait3A_836 = tpu.memref_squeeze %dma_wait3A_835 : memref<1x1x1x72x32xf32, #tpu.memory_space<vmem>> -> memref<72x32xf32, #tpu.memory_space<vmem>>
      %dma_wait3A_837 = arith.constant 128 : i32
      %dma_wait3A_838 = tpu.memref_slice %arg6[%add3A_712, %dma_wait3A_837] : memref<128x200xi32, #tpu.memory_space<vmem>> -> memref<1x72xi32, #tpu.memory_space<vmem>>
      %dma_wait3A_839 = tpu.memref_squeeze %dma_wait3A_838 : memref<1x72xi32, #tpu.memory_space<vmem>> -> memref<72xi32, #tpu.memory_space<vmem>>
      %dma_wait3A_840 = arith.constant 0 : i32
      %dma_wait3A_841 = arith.constant 0 : i32
      %dma_wait3A_842 = tpu.memref_slice %arg2[%dma_wait3A_840, %dma_wait3A_841] : memref<1000000x32xf32, #tpu.memory_space<hbm>> -> memref<1000000x32xf32, #tpu.memory_space<hbm>>
      tpu.wait_indirect_dma semaphore(%arg8 : memref<!tpu.dma_semaphore, #tpu.memory_space<semaphore_mem>>) src(%dma_wait3A_842 : memref<1000000x32xf32, #tpu.memory_space<hbm>>) dst(%dma_wait3A_836 : memref<72x32xf32, #tpu.memory_space<vmem>>)
      %dma_wait3A_843 = arith.constant 0 : i32
      %dma_wait3A_844 = arith.constant 1 : i32
      %dma_wait3A_845 = arith.constant 1 : i32
      %dma_wait3A_846 = arith.constant 0 : i32
      %dma_wait3A_847 = arith.constant 0 : i32
      %dma_wait3A_848 = tpu.memref_slice %arg7[%dma_wait3A_843, %dma_wait3A_844, %dma_wait3A_845, %dma_wait3A_846, %dma_wait3A_847] : memref<2x2x2x200x32xf32, #tpu.memory_space<vmem>> -> memref<1x1x1x128x32xf32, #tpu.memory_space<vmem>>
      %dma_wait3A_849 = tpu.memref_squeeze %dma_wait3A_848 : memref<1x1x1x128x32xf32, #tpu.memory_space<vmem>> -> memref<128x32xf32, #tpu.memory_space<vmem>>
      %dma_wait3A_850 = arith.constant 0 : i32
      %dma_wait3A_851 = tpu.memref_slice %arg6[%add3A_712, %dma_wait3A_850] : memref<128x200xi32, #tpu.memory_space<vmem>> -> memref<1x128xi32, #tpu.memory_space<vmem>>
      %dma_wait3A_852 = tpu.memref_squeeze %dma_wait3A_851 : memref<1x128xi32, #tpu.memory_space<vmem>> -> memref<128xi32, #tpu.memory_space<vmem>>
      %dma_wait3A_853 = arith.constant 0 : i32
      %dma_wait3A_854 = arith.constant 0 : i32
      %dma_wait3A_855 = tpu.memref_slice %arg3[%dma_wait3A_853, %dma_wait3A_854] : memref<1000000x32xf32, #tpu.memory_space<hbm>> -> memref<1000000x32xf32, #tpu.memory_space<hbm>>
      tpu.wait_indirect_dma semaphore(%arg8 : memref<!tpu.dma_semaphore, #tpu.memory_space<semaphore_mem>>) src(%dma_wait3A_855 : memref<1000000x32xf32, #tpu.memory_space<hbm>>) dst(%dma_wait3A_849 : memref<128x32xf32, #tpu.memory_space<vmem>>)
      %dma_wait3A_856 = arith.constant 0 : i32
      %dma_wait3A_857 = arith.constant 1 : i32
      %dma_wait3A_858 = arith.constant 1 : i32
      %dma_wait3A_859 = arith.constant 128 : i32
      %dma_wait3A_860 = arith.constant 0 : i32
      %dma_wait3A_861 = tpu.memref_slice %arg7[%dma_wait3A_856, %dma_wait3A_857, %dma_wait3A_858, %dma_wait3A_859, %dma_wait3A_860] : memref<2x2x2x200x32xf32, #tpu.memory_space<vmem>> -> memref<1x1x1x72x32xf32, #tpu.memory_space<vmem>>
      %dma_wait3A_862 = tpu.memref_squeeze %dma_wait3A_861 : memref<1x1x1x72x32xf32, #tpu.memory_space<vmem>> -> memref<72x32xf32, #tpu.memory_space<vmem>>
      %dma_wait3A_863 = arith.constant 128 : i32
      %dma_wait3A_864 = tpu.memref_slice %arg6[%add3A_712, %dma_wait3A_863] : memref<128x200xi32, #tpu.memory_space<vmem>> -> memref<1x72xi32, #tpu.memory_space<vmem>>
      %dma_wait3A_865 = tpu.memref_squeeze %dma_wait3A_864 : memref<1x72xi32, #tpu.memory_space<vmem>> -> memref<72xi32, #tpu.memory_space<vmem>>
      %dma_wait3A_866 = arith.constant 0 : i32
      %dma_wait3A_867 = arith.constant 0 : i32
      %dma_wait3A_868 = tpu.memref_slice %arg3[%dma_wait3A_866, %dma_wait3A_867] : memref<1000000x32xf32, #tpu.memory_space<hbm>> -> memref<1000000x32xf32, #tpu.memory_space<hbm>>
      tpu.wait_indirect_dma semaphore(%arg8 : memref<!tpu.dma_semaphore, #tpu.memory_space<semaphore_mem>>) src(%dma_wait3A_868 : memref<1000000x32xf32, #tpu.memory_space<hbm>>) dst(%dma_wait3A_862 : memref<72x32xf32, #tpu.memory_space<vmem>>)
      %dma_start3A_869 = arith.constant 0 : i32
      %dma_start3A_870 = arith.constant 0 : i32
      %dma_start3A_871 = arith.constant 0 : i32
      %dma_start3A_872 = arith.constant 0 : i32
      %dma_start3A_873 = arith.constant 0 : i32
      %dma_start3A_874 = tpu.memref_slice %arg7[%dma_start3A_869, %dma_start3A_870, %dma_start3A_871, %dma_start3A_872, %dma_start3A_873] : memref<2x2x2x200x32xf32, #tpu.memory_space<vmem>> -> memref<1x1x2x200x32xf32, #tpu.memory_space<vmem>>
      %dma_start3A_875 = tpu.memref_squeeze %dma_start3A_874 : memref<1x1x2x200x32xf32, #tpu.memory_space<vmem>> -> memref<2x200x32xf32, #tpu.memory_space<vmem>>
      %dma_start3A_876 = arith.constant 0 : i32
      %dma_start3A_877 = arith.constant 0 : i32
      %dma_start3A_878 = tpu.memref_slice %arg5[%add3A_613, %dma_start3A_876, %dma_start3A_877] : memref<4096x200x64xf32, #tpu.memory_space<hbm>> -> memref<2x200x32xf32, #tpu.memory_space<hbm>>
      %dma_start3A_879 = arith.constant 0 : i32
      %dma_start3A_880 = arith.constant 0 : i32
      %dma_start3A_881 = tpu.memref_slice %arg5[%add3A_613, %dma_start3A_879, %dma_start3A_880] : memref<4096x200x64xf32, #tpu.memory_space<hbm>> -> memref<2x200x32xf32, #tpu.memory_space<hbm>>
      %dma_start3A_882 = arith.constant 0 : i32
      %dma_start3A_883 = arith.constant 0 : i32
      %dma_start3A_884 = arith.constant 0 : i32
      %dma_start3A_885 = tpu.memref_slice %arg7[%dma_start3A_869, %dma_start3A_870, %dma_start3A_882, %dma_start3A_883, %dma_start3A_884] : memref<2x2x2x200x32xf32, #tpu.memory_space<vmem>> -> memref<1x1x2x200x32xf32, #tpu.memory_space<vmem>>
      %dma_start3A_886 = tpu.memref_squeeze %dma_start3A_885 : memref<1x1x2x200x32xf32, #tpu.memory_space<vmem>> -> memref<2x200x32xf32, #tpu.memory_space<vmem>>
      tpu.enqueue_dma source(%dma_start3A_886 : memref<2x200x32xf32, #tpu.memory_space<vmem>>) target(%dma_start3A_881 : memref<2x200x32xf32, #tpu.memory_space<hbm>>) target_semaphore(%arg9 : memref<!tpu.dma_semaphore, #tpu.memory_space<semaphore_mem>>)
      %dma_start3A_887 = arith.constant 0 : i32
      %dma_start3A_888 = arith.constant 1 : i32
      %dma_start3A_889 = arith.constant 0 : i32
      %dma_start3A_890 = arith.constant 0 : i32
      %dma_start3A_891 = arith.constant 0 : i32
      %dma_start3A_892 = tpu.memref_slice %arg7[%dma_start3A_887, %dma_start3A_888, %dma_start3A_889, %dma_start3A_890, %dma_start3A_891] : memref<2x2x2x200x32xf32, #tpu.memory_space<vmem>> -> memref<1x1x2x200x32xf32, #tpu.memory_space<vmem>>
      %dma_start3A_893 = tpu.memref_squeeze %dma_start3A_892 : memref<1x1x2x200x32xf32, #tpu.memory_space<vmem>> -> memref<2x200x32xf32, #tpu.memory_space<vmem>>
      %dma_start3A_894 = arith.constant 0 : i32
      %dma_start3A_895 = arith.constant 32 : i32
      %dma_start3A_896 = tpu.memref_slice %arg5[%add3A_616, %dma_start3A_894, %dma_start3A_895] : memref<4096x200x64xf32, #tpu.memory_space<hbm>> -> memref<2x200x32xf32, #tpu.memory_space<hbm>>
      %dma_start3A_897 = arith.constant 0 : i32
      %dma_start3A_898 = arith.constant 32 : i32
      %dma_start3A_899 = tpu.memref_slice %arg5[%add3A_616, %dma_start3A_897, %dma_start3A_898] : memref<4096x200x64xf32, #tpu.memory_space<hbm>> -> memref<2x200x32xf32, #tpu.memory_space<hbm>>
      %dma_start3A_900 = arith.constant 0 : i32
      %dma_start3A_901 = arith.constant 0 : i32
      %dma_start3A_902 = arith.constant 0 : i32
      %dma_start3A_903 = tpu.memref_slice %arg7[%dma_start3A_887, %dma_start3A_888, %dma_start3A_900, %dma_start3A_901, %dma_start3A_902] : memref<2x2x2x200x32xf32, #tpu.memory_space<vmem>> -> memref<1x1x2x200x32xf32, #tpu.memory_space<vmem>>
      %dma_start3A_904 = tpu.memref_squeeze %dma_start3A_903 : memref<1x1x2x200x32xf32, #tpu.memory_space<vmem>> -> memref<2x200x32xf32, #tpu.memory_space<vmem>>
      tpu.enqueue_dma source(%dma_start3A_904 : memref<2x200x32xf32, #tpu.memory_space<vmem>>) target(%dma_start3A_899 : memref<2x200x32xf32, #tpu.memory_space<hbm>>) target_semaphore(%arg11 : memref<!tpu.dma_semaphore, #tpu.memory_space<semaphore_mem>>)
      %mul3A_905 = arith.constant 2 : i32
      %mul3A_906 = arith.muli %scan3A_606, %mul3A_905 : i32
      %add3A_907 = arith.constant 1 : i32
      %add3A_908 = arith.addi %mul3A_906, %add3A_907 : i32
      %mul3A_909 = arith.constant 2 : i32
      %mul3A_910 = arith.muli %add3A_908, %mul3A_909 : i32
      %add3A_911 = arith.addi %mul3A_2, %mul3A_910 : i32
      %mul3A_912 = arith.constant 2 : i32
      %mul3A_913 = arith.muli %add3A_908, %mul3A_912 : i32
      %add3A_914 = arith.addi %mul3A_2, %mul3A_913 : i32
      %dma_wait3A_915 = arith.constant 1 : i32
      %dma_wait3A_916 = arith.constant 0 : i32
      %dma_wait3A_917 = arith.constant 0 : i32
      %dma_wait3A_918 = arith.constant 0 : i32
      %dma_wait3A_919 = arith.constant 0 : i32
      %dma_wait3A_920 = tpu.memref_slice %arg7[%dma_wait3A_915, %dma_wait3A_916, %dma_wait3A_917, %dma_wait3A_918, %dma_wait3A_919] : memref<2x2x2x200x32xf32, #tpu.memory_space<vmem>> -> memref<1x1x2x200x32xf32, #tpu.memory_space<vmem>>
      %dma_wait3A_921 = tpu.memref_squeeze %dma_wait3A_920 : memref<1x1x2x200x32xf32, #tpu.memory_space<vmem>> -> memref<2x200x32xf32, #tpu.memory_space<vmem>>
      %dma_wait3A_922 = arith.constant 0 : i32
      %dma_wait3A_923 = arith.constant 0 : i32
      %dma_wait3A_924 = tpu.memref_slice %arg5[%add3A_911, %dma_wait3A_922, %dma_wait3A_923] : memref<4096x200x64xf32, #tpu.memory_space<hbm>> -> memref<2x200x32xf32, #tpu.memory_space<hbm>>
      %dma_wait3A_925 = arith.constant 0 : i32
      %dma_wait3A_926 = arith.constant 0 : i32
      %dma_wait3A_927 = tpu.memref_slice %arg5[%add3A_911, %dma_wait3A_925, %dma_wait3A_926] : memref<4096x200x64xf32, #tpu.memory_space<hbm>> -> memref<2x200x32xf32, #tpu.memory_space<hbm>>
      %dma_wait3A_928 = arith.constant 0 : i32
      %dma_wait3A_929 = arith.constant 0 : i32
      %dma_wait3A_930 = arith.constant 0 : i32
      %dma_wait3A_931 = tpu.memref_slice %arg7[%dma_wait3A_915, %dma_wait3A_916, %dma_wait3A_928, %dma_wait3A_929, %dma_wait3A_930] : memref<2x2x2x200x32xf32, #tpu.memory_space<vmem>> -> memref<1x1x2x200x32xf32, #tpu.memory_space<vmem>>
      %dma_wait3A_932 = tpu.memref_squeeze %dma_wait3A_931 : memref<1x1x2x200x32xf32, #tpu.memory_space<vmem>> -> memref<2x200x32xf32, #tpu.memory_space<vmem>>
      tpu.wait_dma2 semaphore(%arg10 : memref<!tpu.dma_semaphore, #tpu.memory_space<semaphore_mem>>) src(%dma_wait3A_932 : memref<2x200x32xf32, #tpu.memory_space<vmem>>) dst(%dma_wait3A_927 : memref<2x200x32xf32, #tpu.memory_space<hbm>>)
      %dma_wait3A_933 = arith.constant 1 : i32
      %dma_wait3A_934 = arith.constant 1 : i32
      %dma_wait3A_935 = arith.constant 0 : i32
      %dma_wait3A_936 = arith.constant 0 : i32
      %dma_wait3A_937 = arith.constant 0 : i32
      %dma_wait3A_938 = tpu.memref_slice %arg7[%dma_wait3A_933, %dma_wait3A_934, %dma_wait3A_935, %dma_wait3A_936, %dma_wait3A_937] : memref<2x2x2x200x32xf32, #tpu.memory_space<vmem>> -> memref<1x1x2x200x32xf32, #tpu.memory_space<vmem>>
      %dma_wait3A_939 = tpu.memref_squeeze %dma_wait3A_938 : memref<1x1x2x200x32xf32, #tpu.memory_space<vmem>> -> memref<2x200x32xf32, #tpu.memory_space<vmem>>
      %dma_wait3A_940 = arith.constant 0 : i32
      %dma_wait3A_941 = arith.constant 32 : i32
      %dma_wait3A_942 = tpu.memref_slice %arg5[%add3A_914, %dma_wait3A_940, %dma_wait3A_941] : memref<4096x200x64xf32, #tpu.memory_space<hbm>> -> memref<2x200x32xf32, #tpu.memory_space<hbm>>
      %dma_wait3A_943 = arith.constant 0 : i32
      %dma_wait3A_944 = arith.constant 32 : i32
      %dma_wait3A_945 = tpu.memref_slice %arg5[%add3A_914, %dma_wait3A_943, %dma_wait3A_944] : memref<4096x200x64xf32, #tpu.memory_space<hbm>> -> memref<2x200x32xf32, #tpu.memory_space<hbm>>
      %dma_wait3A_946 = arith.constant 0 : i32
      %dma_wait3A_947 = arith.constant 0 : i32
      %dma_wait3A_948 = arith.constant 0 : i32
      %dma_wait3A_949 = tpu.memref_slice %arg7[%dma_wait3A_933, %dma_wait3A_934, %dma_wait3A_946, %dma_wait3A_947, %dma_wait3A_948] : memref<2x2x2x200x32xf32, #tpu.memory_space<vmem>> -> memref<1x1x2x200x32xf32, #tpu.memory_space<vmem>>
      %dma_wait3A_950 = tpu.memref_squeeze %dma_wait3A_949 : memref<1x1x2x200x32xf32, #tpu.memory_space<vmem>> -> memref<2x200x32xf32, #tpu.memory_space<vmem>>
      tpu.wait_dma2 semaphore(%arg12 : memref<!tpu.dma_semaphore, #tpu.memory_space<semaphore_mem>>) src(%dma_wait3A_950 : memref<2x200x32xf32, #tpu.memory_space<vmem>>) dst(%dma_wait3A_945 : memref<2x200x32xf32, #tpu.memory_space<hbm>>)
      %mul3A_951 = arith.constant 2 : i32
      %mul3A_952 = arith.muli %add3A_908, %mul3A_951 : i32
      %add3A_953 = arith.constant 0 : i32
      %add3A_954 = arith.addi %mul3A_952, %add3A_953 : i32
      %dma_start3A_955 = arith.constant 1 : i32
      %dma_start3A_956 = arith.constant 0 : i32
      %dma_start3A_957 = arith.constant 0 : i32
      %dma_start3A_958 = arith.constant 0 : i32
      %dma_start3A_959 = arith.constant 0 : i32
      %dma_start3A_960 = tpu.memref_slice %arg7[%dma_start3A_955, %dma_start3A_956, %dma_start3A_957, %dma_start3A_958, %dma_start3A_959] : memref<2x2x2x200x32xf32, #tpu.memory_space<vmem>> -> memref<1x1x1x128x32xf32, #tpu.memory_space<vmem>>
      %dma_start3A_961 = tpu.memref_squeeze %dma_start3A_960 : memref<1x1x1x128x32xf32, #tpu.memory_space<vmem>> -> memref<128x32xf32, #tpu.memory_space<vmem>>
      %dma_start3A_962 = arith.constant 0 : i32
      %dma_start3A_963 = tpu.memref_slice %arg6[%add3A_954, %dma_start3A_962] : memref<128x200xi32, #tpu.memory_space<vmem>> -> memref<1x128xi32, #tpu.memory_space<vmem>>
      %dma_start3A_964 = tpu.memref_squeeze %dma_start3A_963 : memref<1x128xi32, #tpu.memory_space<vmem>> -> memref<128xi32, #tpu.memory_space<vmem>>
      %dma_start3A_965 = arith.constant 0 : i32
      %dma_start3A_966 = arith.constant 0 : i32
      %dma_start3A_967 = tpu.memref_slice %arg2[%dma_start3A_965, %dma_start3A_966] : memref<1000000x32xf32, #tpu.memory_space<hbm>> -> memref<1000000x32xf32, #tpu.memory_space<hbm>>
      tpu.enqueue_indirect_dma source(%dma_start3A_967 : memref<1000000x32xf32, #tpu.memory_space<hbm>>) target(%dma_start3A_961 : memref<128x32xf32, #tpu.memory_space<vmem>>) offsets(%dma_start3A_964 : memref<128xi32, #tpu.memory_space<vmem>>) semaphore(%arg8 : memref<!tpu.dma_semaphore, #tpu.memory_space<semaphore_mem>>)
      %dma_start3A_968 = arith.constant 1 : i32
      %dma_start3A_969 = arith.constant 0 : i32
      %dma_start3A_970 = arith.constant 0 : i32
      %dma_start3A_971 = arith.constant 128 : i32
      %dma_start3A_972 = arith.constant 0 : i32
      %dma_start3A_973 = tpu.memref_slice %arg7[%dma_start3A_968, %dma_start3A_969, %dma_start3A_970, %dma_start3A_971, %dma_start3A_972] : memref<2x2x2x200x32xf32, #tpu.memory_space<vmem>> -> memref<1x1x1x72x32xf32, #tpu.memory_space<vmem>>
      %dma_start3A_974 = tpu.memref_squeeze %dma_start3A_973 : memref<1x1x1x72x32xf32, #tpu.memory_space<vmem>> -> memref<72x32xf32, #tpu.memory_space<vmem>>
      %dma_start3A_975 = arith.constant 128 : i32
      %dma_start3A_976 = tpu.memref_slice %arg6[%add3A_954, %dma_start3A_975] : memref<128x200xi32, #tpu.memory_space<vmem>> -> memref<1x72xi32, #tpu.memory_space<vmem>>
      %dma_start3A_977 = tpu.memref_squeeze %dma_start3A_976 : memref<1x72xi32, #tpu.memory_space<vmem>> -> memref<72xi32, #tpu.memory_space<vmem>>
      %dma_start3A_978 = arith.constant 0 : i32
      %dma_start3A_979 = arith.constant 0 : i32
      %dma_start3A_980 = tpu.memref_slice %arg2[%dma_start3A_978, %dma_start3A_979] : memref<1000000x32xf32, #tpu.memory_space<hbm>> -> memref<1000000x32xf32, #tpu.memory_space<hbm>>
      tpu.enqueue_indirect_dma source(%dma_start3A_980 : memref<1000000x32xf32, #tpu.memory_space<hbm>>) target(%dma_start3A_974 : memref<72x32xf32, #tpu.memory_space<vmem>>) offsets(%dma_start3A_977 : memref<72xi32, #tpu.memory_space<vmem>>) semaphore(%arg8 : memref<!tpu.dma_semaphore, #tpu.memory_space<semaphore_mem>>)
      %dma_start3A_981 = arith.constant 1 : i32
      %dma_start3A_982 = arith.constant 1 : i32
      %dma_start3A_983 = arith.constant 0 : i32
      %dma_start3A_984 = arith.constant 0 : i32
      %dma_start3A_985 = arith.constant 0 : i32
      %dma_start3A_986 = tpu.memref_slice %arg7[%dma_start3A_981, %dma_start3A_982, %dma_start3A_983, %dma_start3A_984, %dma_start3A_985] : memref<2x2x2x200x32xf32, #tpu.memory_space<vmem>> -> memref<1x1x1x128x32xf32, #tpu.memory_space<vmem>>
      %dma_start3A_987 = tpu.memref_squeeze %dma_start3A_986 : memref<1x1x1x128x32xf32, #tpu.memory_space<vmem>> -> memref<128x32xf32, #tpu.memory_space<vmem>>
      %dma_start3A_988 = arith.constant 0 : i32
      %dma_start3A_989 = tpu.memref_slice %arg6[%add3A_954, %dma_start3A_988] : memref<128x200xi32, #tpu.memory_space<vmem>> -> memref<1x128xi32, #tpu.memory_space<vmem>>
      %dma_start3A_990 = tpu.memref_squeeze %dma_start3A_989 : memref<1x128xi32, #tpu.memory_space<vmem>> -> memref<128xi32, #tpu.memory_space<vmem>>
      %dma_start3A_991 = arith.constant 0 : i32
      %dma_start3A_992 = arith.constant 0 : i32
      %dma_start3A_993 = tpu.memref_slice %arg3[%dma_start3A_991, %dma_start3A_992] : memref<1000000x32xf32, #tpu.memory_space<hbm>> -> memref<1000000x32xf32, #tpu.memory_space<hbm>>
      tpu.enqueue_indirect_dma source(%dma_start3A_993 : memref<1000000x32xf32, #tpu.memory_space<hbm>>) target(%dma_start3A_987 : memref<128x32xf32, #tpu.memory_space<vmem>>) offsets(%dma_start3A_990 : memref<128xi32, #tpu.memory_space<vmem>>) semaphore(%arg8 : memref<!tpu.dma_semaphore, #tpu.memory_space<semaphore_mem>>)
      %dma_start3A_994 = arith.constant 1 : i32
      %dma_start3A_995 = arith.constant 1 : i32
      %dma_start3A_996 = arith.constant 0 : i32
      %dma_start3A_997 = arith.constant 128 : i32
      %dma_start3A_998 = arith.constant 0 : i32
      %dma_start3A_999 = tpu.memref_slice %arg7[%dma_start3A_994, %dma_start3A_995, %dma_start3A_996, %dma_start3A_997, %dma_start3A_998] : memref<2x2x2x200x32xf32, #tpu.memory_space<vmem>> -> memref<1x1x1x72x32xf32, #tpu.memory_space<vmem>>
      %dma_start3A_1000 = tpu.memref_squeeze %dma_start3A_999 : memref<1x1x1x72x32xf32, #tpu.memory_space<vmem>> -> memref<72x32xf32, #tpu.memory_space<vmem>>
      %dma_start3A_1001 = arith.constant 128 : i32
      %dma_start3A_1002 = tpu.memref_slice %arg6[%add3A_954, %dma_start3A_1001] : memref<128x200xi32, #tpu.memory_space<vmem>> -> memref<1x72xi32, #tpu.memory_space<vmem>>
      %dma_start3A_1003 = tpu.memref_squeeze %dma_start3A_1002 : memref<1x72xi32, #tpu.memory_space<vmem>> -> memref<72xi32, #tpu.memory_space<vmem>>
      %dma_start3A_1004 = arith.constant 0 : i32
      %dma_start3A_1005 = arith.constant 0 : i32
      %dma_start3A_1006 = tpu.memref_slice %arg3[%dma_start3A_1004, %dma_start3A_1005] : memref<1000000x32xf32, #tpu.memory_space<hbm>> -> memref<1000000x32xf32, #tpu.memory_space<hbm>>
      tpu.enqueue_indirect_dma source(%dma_start3A_1006 : memref<1000000x32xf32, #tpu.memory_space<hbm>>) target(%dma_start3A_1000 : memref<72x32xf32, #tpu.memory_space<vmem>>) offsets(%dma_start3A_1003 : memref<72xi32, #tpu.memory_space<vmem>>) semaphore(%arg8 : memref<!tpu.dma_semaphore, #tpu.memory_space<semaphore_mem>>)
      %mul3A_1007 = arith.constant 2 : i32
      %mul3A_1008 = arith.muli %add3A_908, %mul3A_1007 : i32
      %add3A_1009 = arith.constant 1 : i32
      %add3A_1010 = arith.addi %mul3A_1008, %add3A_1009 : i32
      %dma_start3A_1011 = arith.constant 1 : i32
      %dma_start3A_1012 = arith.constant 0 : i32
      %dma_start3A_1013 = arith.constant 1 : i32
      %dma_start3A_1014 = arith.constant 0 : i32
      %dma_start3A_1015 = arith.constant 0 : i32
      %dma_start3A_1016 = tpu.memref_slice %arg7[%dma_start3A_1011, %dma_start3A_1012, %dma_start3A_1013, %dma_start3A_1014, %dma_start3A_1015] : memref<2x2x2x200x32xf32, #tpu.memory_space<vmem>> -> memref<1x1x1x128x32xf32, #tpu.memory_space<vmem>>
      %dma_start3A_1017 = tpu.memref_squeeze %dma_start3A_1016 : memref<1x1x1x128x32xf32, #tpu.memory_space<vmem>> -> memref<128x32xf32, #tpu.memory_space<vmem>>
      %dma_start3A_1018 = arith.constant 0 : i32
      %dma_start3A_1019 = tpu.memref_slice %arg6[%add3A_1010, %dma_start3A_1018] : memref<128x200xi32, #tpu.memory_space<vmem>> -> memref<1x128xi32, #tpu.memory_space<vmem>>
      %dma_start3A_1020 = tpu.memref_squeeze %dma_start3A_1019 : memref<1x128xi32, #tpu.memory_space<vmem>> -> memref<128xi32, #tpu.memory_space<vmem>>
      %dma_start3A_1021 = arith.constant 0 : i32
      %dma_start3A_1022 = arith.constant 0 : i32
      %dma_start3A_1023 = tpu.memref_slice %arg2[%dma_start3A_1021, %dma_start3A_1022] : memref<1000000x32xf32, #tpu.memory_space<hbm>> -> memref<1000000x32xf32, #tpu.memory_space<hbm>>
      tpu.enqueue_indirect_dma source(%dma_start3A_1023 : memref<1000000x32xf32, #tpu.memory_space<hbm>>) target(%dma_start3A_1017 : memref<128x32xf32, #tpu.memory_space<vmem>>) offsets(%dma_start3A_1020 : memref<128xi32, #tpu.memory_space<vmem>>) semaphore(%arg8 : memref<!tpu.dma_semaphore, #tpu.memory_space<semaphore_mem>>)
      %dma_start3A_1024 = arith.constant 1 : i32
      %dma_start3A_1025 = arith.constant 0 : i32
      %dma_start3A_1026 = arith.constant 1 : i32
      %dma_start3A_1027 = arith.constant 128 : i32
      %dma_start3A_1028 = arith.constant 0 : i32
      %dma_start3A_1029 = tpu.memref_slice %arg7[%dma_start3A_1024, %dma_start3A_1025, %dma_start3A_1026, %dma_start3A_1027, %dma_start3A_1028] : memref<2x2x2x200x32xf32, #tpu.memory_space<vmem>> -> memref<1x1x1x72x32xf32, #tpu.memory_space<vmem>>
      %dma_start3A_1030 = tpu.memref_squeeze %dma_start3A_1029 : memref<1x1x1x72x32xf32, #tpu.memory_space<vmem>> -> memref<72x32xf32, #tpu.memory_space<vmem>>
      %dma_start3A_1031 = arith.constant 128 : i32
      %dma_start3A_1032 = tpu.memref_slice %arg6[%add3A_1010, %dma_start3A_1031] : memref<128x200xi32, #tpu.memory_space<vmem>> -> memref<1x72xi32, #tpu.memory_space<vmem>>
      %dma_start3A_1033 = tpu.memref_squeeze %dma_start3A_1032 : memref<1x72xi32, #tpu.memory_space<vmem>> -> memref<72xi32, #tpu.memory_space<vmem>>
      %dma_start3A_1034 = arith.constant 0 : i32
      %dma_start3A_1035 = arith.constant 0 : i32
      %dma_start3A_1036 = tpu.memref_slice %arg2[%dma_start3A_1034, %dma_start3A_1035] : memref<1000000x32xf32, #tpu.memory_space<hbm>> -> memref<1000000x32xf32, #tpu.memory_space<hbm>>
      tpu.enqueue_indirect_dma source(%dma_start3A_1036 : memref<1000000x32xf32, #tpu.memory_space<hbm>>) target(%dma_start3A_1030 : memref<72x32xf32, #tpu.memory_space<vmem>>) offsets(%dma_start3A_1033 : memref<72xi32, #tpu.memory_space<vmem>>) semaphore(%arg8 : memref<!tpu.dma_semaphore, #tpu.memory_space<semaphore_mem>>)
      %dma_start3A_1037 = arith.constant 1 : i32
      %dma_start3A_1038 = arith.constant 1 : i32
      %dma_start3A_1039 = arith.constant 1 : i32
      %dma_start3A_1040 = arith.constant 0 : i32
      %dma_start3A_1041 = arith.constant 0 : i32
      %dma_start3A_1042 = tpu.memref_slice %arg7[%dma_start3A_1037, %dma_start3A_1038, %dma_start3A_1039, %dma_start3A_1040, %dma_start3A_1041] : memref<2x2x2x200x32xf32, #tpu.memory_space<vmem>> -> memref<1x1x1x128x32xf32, #tpu.memory_space<vmem>>
      %dma_start3A_1043 = tpu.memref_squeeze %dma_start3A_1042 : memref<1x1x1x128x32xf32, #tpu.memory_space<vmem>> -> memref<128x32xf32, #tpu.memory_space<vmem>>
      %dma_start3A_1044 = arith.constant 0 : i32
      %dma_start3A_1045 = tpu.memref_slice %arg6[%add3A_1010, %dma_start3A_1044] : memref<128x200xi32, #tpu.memory_space<vmem>> -> memref<1x128xi32, #tpu.memory_space<vmem>>
      %dma_start3A_1046 = tpu.memref_squeeze %dma_start3A_1045 : memref<1x128xi32, #tpu.memory_space<vmem>> -> memref<128xi32, #tpu.memory_space<vmem>>
      %dma_start3A_1047 = arith.constant 0 : i32
      %dma_start3A_1048 = arith.constant 0 : i32
      %dma_start3A_1049 = tpu.memref_slice %arg3[%dma_start3A_1047, %dma_start3A_1048] : memref<1000000x32xf32, #tpu.memory_space<hbm>> -> memref<1000000x32xf32, #tpu.memory_space<hbm>>
      tpu.enqueue_indirect_dma source(%dma_start3A_1049 : memref<1000000x32xf32, #tpu.memory_space<hbm>>) target(%dma_start3A_1043 : memref<128x32xf32, #tpu.memory_space<vmem>>) offsets(%dma_start3A_1046 : memref<128xi32, #tpu.memory_space<vmem>>) semaphore(%arg8 : memref<!tpu.dma_semaphore, #tpu.memory_space<semaphore_mem>>)
      %dma_start3A_1050 = arith.constant 1 : i32
      %dma_start3A_1051 = arith.constant 1 : i32
      %dma_start3A_1052 = arith.constant 1 : i32
      %dma_start3A_1053 = arith.constant 128 : i32
      %dma_start3A_1054 = arith.constant 0 : i32
      %dma_start3A_1055 = tpu.memref_slice %arg7[%dma_start3A_1050, %dma_start3A_1051, %dma_start3A_1052, %dma_start3A_1053, %dma_start3A_1054] : memref<2x2x2x200x32xf32, #tpu.memory_space<vmem>> -> memref<1x1x1x72x32xf32, #tpu.memory_space<vmem>>
      %dma_start3A_1056 = tpu.memref_squeeze %dma_start3A_1055 : memref<1x1x1x72x32xf32, #tpu.memory_space<vmem>> -> memref<72x32xf32, #tpu.memory_space<vmem>>
      %dma_start3A_1057 = arith.constant 128 : i32
      %dma_start3A_1058 = tpu.memref_slice %arg6[%add3A_1010, %dma_start3A_1057] : memref<128x200xi32, #tpu.memory_space<vmem>> -> memref<1x72xi32, #tpu.memory_space<vmem>>
      %dma_start3A_1059 = tpu.memref_squeeze %dma_start3A_1058 : memref<1x72xi32, #tpu.memory_space<vmem>> -> memref<72xi32, #tpu.memory_space<vmem>>
      %dma_start3A_1060 = arith.constant 0 : i32
      %dma_start3A_1061 = arith.constant 0 : i32
      %dma_start3A_1062 = tpu.memref_slice %arg3[%dma_start3A_1060, %dma_start3A_1061] : memref<1000000x32xf32, #tpu.memory_space<hbm>> -> memref<1000000x32xf32, #tpu.memory_space<hbm>>
      tpu.enqueue_indirect_dma source(%dma_start3A_1062 : memref<1000000x32xf32, #tpu.memory_space<hbm>>) target(%dma_start3A_1056 : memref<72x32xf32, #tpu.memory_space<vmem>>) offsets(%dma_start3A_1059 : memref<72xi32, #tpu.memory_space<vmem>>) semaphore(%arg8 : memref<!tpu.dma_semaphore, #tpu.memory_space<semaphore_mem>>)
      %dma_wait3A_1063 = arith.constant 1 : i32
      %dma_wait3A_1064 = arith.constant 0 : i32
      %dma_wait3A_1065 = arith.constant 0 : i32
      %dma_wait3A_1066 = arith.constant 0 : i32
      %dma_wait3A_1067 = arith.constant 0 : i32
      %dma_wait3A_1068 = tpu.memref_slice %arg7[%dma_wait3A_1063, %dma_wait3A_1064, %dma_wait3A_1065, %dma_wait3A_1066, %dma_wait3A_1067] : memref<2x2x2x200x32xf32, #tpu.memory_space<vmem>> -> memref<1x1x1x128x32xf32, #tpu.memory_space<vmem>>
      %dma_wait3A_1069 = tpu.memref_squeeze %dma_wait3A_1068 : memref<1x1x1x128x32xf32, #tpu.memory_space<vmem>> -> memref<128x32xf32, #tpu.memory_space<vmem>>
      %dma_wait3A_1070 = arith.constant 0 : i32
      %dma_wait3A_1071 = tpu.memref_slice %arg6[%add3A_954, %dma_wait3A_1070] : memref<128x200xi32, #tpu.memory_space<vmem>> -> memref<1x128xi32, #tpu.memory_space<vmem>>
      %dma_wait3A_1072 = tpu.memref_squeeze %dma_wait3A_1071 : memref<1x128xi32, #tpu.memory_space<vmem>> -> memref<128xi32, #tpu.memory_space<vmem>>
      %dma_wait3A_1073 = arith.constant 0 : i32
      %dma_wait3A_1074 = arith.constant 0 : i32
      %dma_wait3A_1075 = tpu.memref_slice %arg2[%dma_wait3A_1073, %dma_wait3A_1074] : memref<1000000x32xf32, #tpu.memory_space<hbm>> -> memref<1000000x32xf32, #tpu.memory_space<hbm>>
      tpu.wait_indirect_dma semaphore(%arg8 : memref<!tpu.dma_semaphore, #tpu.memory_space<semaphore_mem>>) src(%dma_wait3A_1075 : memref<1000000x32xf32, #tpu.memory_space<hbm>>) dst(%dma_wait3A_1069 : memref<128x32xf32, #tpu.memory_space<vmem>>)
      %dma_wait3A_1076 = arith.constant 1 : i32
      %dma_wait3A_1077 = arith.constant 0 : i32
      %dma_wait3A_1078 = arith.constant 0 : i32
      %dma_wait3A_1079 = arith.constant 128 : i32
      %dma_wait3A_1080 = arith.constant 0 : i32
      %dma_wait3A_1081 = tpu.memref_slice %arg7[%dma_wait3A_1076, %dma_wait3A_1077, %dma_wait3A_1078, %dma_wait3A_1079, %dma_wait3A_1080] : memref<2x2x2x200x32xf32, #tpu.memory_space<vmem>> -> memref<1x1x1x72x32xf32, #tpu.memory_space<vmem>>
      %dma_wait3A_1082 = tpu.memref_squeeze %dma_wait3A_1081 : memref<1x1x1x72x32xf32, #tpu.memory_space<vmem>> -> memref<72x32xf32, #tpu.memory_space<vmem>>
      %dma_wait3A_1083 = arith.constant 128 : i32
      %dma_wait3A_1084 = tpu.memref_slice %arg6[%add3A_954, %dma_wait3A_1083] : memref<128x200xi32, #tpu.memory_space<vmem>> -> memref<1x72xi32, #tpu.memory_space<vmem>>
      %dma_wait3A_1085 = tpu.memref_squeeze %dma_wait3A_1084 : memref<1x72xi32, #tpu.memory_space<vmem>> -> memref<72xi32, #tpu.memory_space<vmem>>
      %dma_wait3A_1086 = arith.constant 0 : i32
      %dma_wait3A_1087 = arith.constant 0 : i32
      %dma_wait3A_1088 = tpu.memref_slice %arg2[%dma_wait3A_1086, %dma_wait3A_1087] : memref<1000000x32xf32, #tpu.memory_space<hbm>> -> memref<1000000x32xf32, #tpu.memory_space<hbm>>
      tpu.wait_indirect_dma semaphore(%arg8 : memref<!tpu.dma_semaphore, #tpu.memory_space<semaphore_mem>>) src(%dma_wait3A_1088 : memref<1000000x32xf32, #tpu.memory_space<hbm>>) dst(%dma_wait3A_1082 : memref<72x32xf32, #tpu.memory_space<vmem>>)
      %dma_wait3A_1089 = arith.constant 1 : i32
      %dma_wait3A_1090 = arith.constant 1 : i32
      %dma_wait3A_1091 = arith.constant 0 : i32
      %dma_wait3A_1092 = arith.constant 0 : i32
      %dma_wait3A_1093 = arith.constant 0 : i32
      %dma_wait3A_1094 = tpu.memref_slice %arg7[%dma_wait3A_1089, %dma_wait3A_1090, %dma_wait3A_1091, %dma_wait3A_1092, %dma_wait3A_1093] : memref<2x2x2x200x32xf32, #tpu.memory_space<vmem>> -> memref<1x1x1x128x32xf32, #tpu.memory_space<vmem>>
      %dma_wait3A_1095 = tpu.memref_squeeze %dma_wait3A_1094 : memref<1x1x1x128x32xf32, #tpu.memory_space<vmem>> -> memref<128x32xf32, #tpu.memory_space<vmem>>
      %dma_wait3A_1096 = arith.constant 0 : i32
      %dma_wait3A_1097 = tpu.memref_slice %arg6[%add3A_954, %dma_wait3A_1096] : memref<128x200xi32, #tpu.memory_space<vmem>> -> memref<1x128xi32, #tpu.memory_space<vmem>>
      %dma_wait3A_1098 = tpu.memref_squeeze %dma_wait3A_1097 : memref<1x128xi32, #tpu.memory_space<vmem>> -> memref<128xi32, #tpu.memory_space<vmem>>
      %dma_wait3A_1099 = arith.constant 0 : i32
      %dma_wait3A_1100 = arith.constant 0 : i32
      %dma_wait3A_1101 = tpu.memref_slice %arg3[%dma_wait3A_1099, %dma_wait3A_1100] : memref<1000000x32xf32, #tpu.memory_space<hbm>> -> memref<1000000x32xf32, #tpu.memory_space<hbm>>
      tpu.wait_indirect_dma semaphore(%arg8 : memref<!tpu.dma_semaphore, #tpu.memory_space<semaphore_mem>>) src(%dma_wait3A_1101 : memref<1000000x32xf32, #tpu.memory_space<hbm>>) dst(%dma_wait3A_1095 : memref<128x32xf32, #tpu.memory_space<vmem>>)
      %dma_wait3A_1102 = arith.constant 1 : i32
      %dma_wait3A_1103 = arith.constant 1 : i32
      %dma_wait3A_1104 = arith.constant 0 : i32
      %dma_wait3A_1105 = arith.constant 128 : i32
      %dma_wait3A_1106 = arith.constant 0 : i32
      %dma_wait3A_1107 = tpu.memref_slice %arg7[%dma_wait3A_1102, %dma_wait3A_1103, %dma_wait3A_1104, %dma_wait3A_1105, %dma_wait3A_1106] : memref<2x2x2x200x32xf32, #tpu.memory_space<vmem>> -> memref<1x1x1x72x32xf32, #tpu.memory_space<vmem>>
      %dma_wait3A_1108 = tpu.memref_squeeze %dma_wait3A_1107 : memref<1x1x1x72x32xf32, #tpu.memory_space<vmem>> -> memref<72x32xf32, #tpu.memory_space<vmem>>
      %dma_wait3A_1109 = arith.constant 128 : i32
      %dma_wait3A_1110 = tpu.memref_slice %arg6[%add3A_954, %dma_wait3A_1109] : memref<128x200xi32, #tpu.memory_space<vmem>> -> memref<1x72xi32, #tpu.memory_space<vmem>>
      %dma_wait3A_1111 = tpu.memref_squeeze %dma_wait3A_1110 : memref<1x72xi32, #tpu.memory_space<vmem>> -> memref<72xi32, #tpu.memory_space<vmem>>
      %dma_wait3A_1112 = arith.constant 0 : i32
      %dma_wait3A_1113 = arith.constant 0 : i32
      %dma_wait3A_1114 = tpu.memref_slice %arg3[%dma_wait3A_1112, %dma_wait3A_1113] : memref<1000000x32xf32, #tpu.memory_space<hbm>> -> memref<1000000x32xf32, #tpu.memory_space<hbm>>
      tpu.wait_indirect_dma semaphore(%arg8 : memref<!tpu.dma_semaphore, #tpu.memory_space<semaphore_mem>>) src(%dma_wait3A_1114 : memref<1000000x32xf32, #tpu.memory_space<hbm>>) dst(%dma_wait3A_1108 : memref<72x32xf32, #tpu.memory_space<vmem>>)
      %dma_wait3A_1115 = arith.constant 1 : i32
      %dma_wait3A_1116 = arith.constant 0 : i32
      %dma_wait3A_1117 = arith.constant 1 : i32
      %dma_wait3A_1118 = arith.constant 0 : i32
      %dma_wait3A_1119 = arith.constant 0 : i32
      %dma_wait3A_1120 = tpu.memref_slice %arg7[%dma_wait3A_1115, %dma_wait3A_1116, %dma_wait3A_1117, %dma_wait3A_1118, %dma_wait3A_1119] : memref<2x2x2x200x32xf32, #tpu.memory_space<vmem>> -> memref<1x1x1x128x32xf32, #tpu.memory_space<vmem>>
      %dma_wait3A_1121 = tpu.memref_squeeze %dma_wait3A_1120 : memref<1x1x1x128x32xf32, #tpu.memory_space<vmem>> -> memref<128x32xf32, #tpu.memory_space<vmem>>
      %dma_wait3A_1122 = arith.constant 0 : i32
      %dma_wait3A_1123 = tpu.memref_slice %arg6[%add3A_1010, %dma_wait3A_1122] : memref<128x200xi32, #tpu.memory_space<vmem>> -> memref<1x128xi32, #tpu.memory_space<vmem>>
      %dma_wait3A_1124 = tpu.memref_squeeze %dma_wait3A_1123 : memref<1x128xi32, #tpu.memory_space<vmem>> -> memref<128xi32, #tpu.memory_space<vmem>>
      %dma_wait3A_1125 = arith.constant 0 : i32
      %dma_wait3A_1126 = arith.constant 0 : i32
      %dma_wait3A_1127 = tpu.memref_slice %arg2[%dma_wait3A_1125, %dma_wait3A_1126] : memref<1000000x32xf32, #tpu.memory_space<hbm>> -> memref<1000000x32xf32, #tpu.memory_space<hbm>>
      tpu.wait_indirect_dma semaphore(%arg8 : memref<!tpu.dma_semaphore, #tpu.memory_space<semaphore_mem>>) src(%dma_wait3A_1127 : memref<1000000x32xf32, #tpu.memory_space<hbm>>) dst(%dma_wait3A_1121 : memref<128x32xf32, #tpu.memory_space<vmem>>)
      %dma_wait3A_1128 = arith.constant 1 : i32
      %dma_wait3A_1129 = arith.constant 0 : i32
      %dma_wait3A_1130 = arith.constant 1 : i32
      %dma_wait3A_1131 = arith.constant 128 : i32
      %dma_wait3A_1132 = arith.constant 0 : i32
      %dma_wait3A_1133 = tpu.memref_slice %arg7[%dma_wait3A_1128, %dma_wait3A_1129, %dma_wait3A_1130, %dma_wait3A_1131, %dma_wait3A_1132] : memref<2x2x2x200x32xf32, #tpu.memory_space<vmem>> -> memref<1x1x1x72x32xf32, #tpu.memory_space<vmem>>
      %dma_wait3A_1134 = tpu.memref_squeeze %dma_wait3A_1133 : memref<1x1x1x72x32xf32, #tpu.memory_space<vmem>> -> memref<72x32xf32, #tpu.memory_space<vmem>>
      %dma_wait3A_1135 = arith.constant 128 : i32
      %dma_wait3A_1136 = tpu.memref_slice %arg6[%add3A_1010, %dma_wait3A_1135] : memref<128x200xi32, #tpu.memory_space<vmem>> -> memref<1x72xi32, #tpu.memory_space<vmem>>
      %dma_wait3A_1137 = tpu.memref_squeeze %dma_wait3A_1136 : memref<1x72xi32, #tpu.memory_space<vmem>> -> memref<72xi32, #tpu.memory_space<vmem>>
      %dma_wait3A_1138 = arith.constant 0 : i32
      %dma_wait3A_1139 = arith.constant 0 : i32
      %dma_wait3A_1140 = tpu.memref_slice %arg2[%dma_wait3A_1138, %dma_wait3A_1139] : memref<1000000x32xf32, #tpu.memory_space<hbm>> -> memref<1000000x32xf32, #tpu.memory_space<hbm>>
      tpu.wait_indirect_dma semaphore(%arg8 : memref<!tpu.dma_semaphore, #tpu.memory_space<semaphore_mem>>) src(%dma_wait3A_1140 : memref<1000000x32xf32, #tpu.memory_space<hbm>>) dst(%dma_wait3A_1134 : memref<72x32xf32, #tpu.memory_space<vmem>>)
      %dma_wait3A_1141 = arith.constant 1 : i32
      %dma_wait3A_1142 = arith.constant 1 : i32
      %dma_wait3A_1143 = arith.constant 1 : i32
      %dma_wait3A_1144 = arith.constant 0 : i32
      %dma_wait3A_1145 = arith.constant 0 : i32
      %dma_wait3A_1146 = tpu.memref_slice %arg7[%dma_wait3A_1141, %dma_wait3A_1142, %dma_wait3A_1143, %dma_wait3A_1144, %dma_wait3A_1145] : memref<2x2x2x200x32xf32, #tpu.memory_space<vmem>> -> memref<1x1x1x128x32xf32, #tpu.memory_space<vmem>>
      %dma_wait3A_1147 = tpu.memref_squeeze %dma_wait3A_1146 : memref<1x1x1x128x32xf32, #tpu.memory_space<vmem>> -> memref<128x32xf32, #tpu.memory_space<vmem>>
      %dma_wait3A_1148 = arith.constant 0 : i32
      %dma_wait3A_1149 = tpu.memref_slice %arg6[%add3A_1010, %dma_wait3A_1148] : memref<128x200xi32, #tpu.memory_space<vmem>> -> memref<1x128xi32, #tpu.memory_space<vmem>>
      %dma_wait3A_1150 = tpu.memref_squeeze %dma_wait3A_1149 : memref<1x128xi32, #tpu.memory_space<vmem>> -> memref<128xi32, #tpu.memory_space<vmem>>
      %dma_wait3A_1151 = arith.constant 0 : i32
      %dma_wait3A_1152 = arith.constant 0 : i32
      %dma_wait3A_1153 = tpu.memref_slice %arg3[%dma_wait3A_1151, %dma_wait3A_1152] : memref<1000000x32xf32, #tpu.memory_space<hbm>> -> memref<1000000x32xf32, #tpu.memory_space<hbm>>
      tpu.wait_indirect_dma semaphore(%arg8 : memref<!tpu.dma_semaphore, #tpu.memory_space<semaphore_mem>>) src(%dma_wait3A_1153 : memref<1000000x32xf32, #tpu.memory_space<hbm>>) dst(%dma_wait3A_1147 : memref<128x32xf32, #tpu.memory_space<vmem>>)
      %dma_wait3A_1154 = arith.constant 1 : i32
      %dma_wait3A_1155 = arith.constant 1 : i32
      %dma_wait3A_1156 = arith.constant 1 : i32
      %dma_wait3A_1157 = arith.constant 128 : i32
      %dma_wait3A_1158 = arith.constant 0 : i32
      %dma_wait3A_1159 = tpu.memref_slice %arg7[%dma_wait3A_1154, %dma_wait3A_1155, %dma_wait3A_1156, %dma_wait3A_1157, %dma_wait3A_1158] : memref<2x2x2x200x32xf32, #tpu.memory_space<vmem>> -> memref<1x1x1x72x32xf32, #tpu.memory_space<vmem>>
      %dma_wait3A_1160 = tpu.memref_squeeze %dma_wait3A_1159 : memref<1x1x1x72x32xf32, #tpu.memory_space<vmem>> -> memref<72x32xf32, #tpu.memory_space<vmem>>
      %dma_wait3A_1161 = arith.constant 128 : i32
      %dma_wait3A_1162 = tpu.memref_slice %arg6[%add3A_1010, %dma_wait3A_1161] : memref<128x200xi32, #tpu.memory_space<vmem>> -> memref<1x72xi32, #tpu.memory_space<vmem>>
      %dma_wait3A_1163 = tpu.memref_squeeze %dma_wait3A_1162 : memref<1x72xi32, #tpu.memory_space<vmem>> -> memref<72xi32, #tpu.memory_space<vmem>>
      %dma_wait3A_1164 = arith.constant 0 : i32
      %dma_wait3A_1165 = arith.constant 0 : i32
      %dma_wait3A_1166 = tpu.memref_slice %arg3[%dma_wait3A_1164, %dma_wait3A_1165] : memref<1000000x32xf32, #tpu.memory_space<hbm>> -> memref<1000000x32xf32, #tpu.memory_space<hbm>>
      tpu.wait_indirect_dma semaphore(%arg8 : memref<!tpu.dma_semaphore, #tpu.memory_space<semaphore_mem>>) src(%dma_wait3A_1166 : memref<1000000x32xf32, #tpu.memory_space<hbm>>) dst(%dma_wait3A_1160 : memref<72x32xf32, #tpu.memory_space<vmem>>)
      %dma_start3A_1167 = arith.constant 1 : i32
      %dma_start3A_1168 = arith.constant 0 : i32
      %dma_start3A_1169 = arith.constant 0 : i32
      %dma_start3A_1170 = arith.constant 0 : i32
      %dma_start3A_1171 = arith.constant 0 : i32
      %dma_start3A_1172 = tpu.memref_slice %arg7[%dma_start3A_1167, %dma_start3A_1168, %dma_start3A_1169, %dma_start3A_1170, %dma_start3A_1171] : memref<2x2x2x200x32xf32, #tpu.memory_space<vmem>> -> memref<1x1x2x200x32xf32, #tpu.memory_space<vmem>>
      %dma_start3A_1173 = tpu.memref_squeeze %dma_start3A_1172 : memref<1x1x2x200x32xf32, #tpu.memory_space<vmem>> -> memref<2x200x32xf32, #tpu.memory_space<vmem>>
      %dma_start3A_1174 = arith.constant 0 : i32
      %dma_start3A_1175 = arith.constant 0 : i32
      %dma_start3A_1176 = tpu.memref_slice %arg5[%add3A_911, %dma_start3A_1174, %dma_start3A_1175] : memref<4096x200x64xf32, #tpu.memory_space<hbm>> -> memref<2x200x32xf32, #tpu.memory_space<hbm>>
      %dma_start3A_1177 = arith.constant 0 : i32
      %dma_start3A_1178 = arith.constant 0 : i32
      %dma_start3A_1179 = tpu.memref_slice %arg5[%add3A_911, %dma_start3A_1177, %dma_start3A_1178] : memref<4096x200x64xf32, #tpu.memory_space<hbm>> -> memref<2x200x32xf32, #tpu.memory_space<hbm>>
      %dma_start3A_1180 = arith.constant 0 : i32
      %dma_start3A_1181 = arith.constant 0 : i32
      %dma_start3A_1182 = arith.constant 0 : i32
      %dma_start3A_1183 = tpu.memref_slice %arg7[%dma_start3A_1167, %dma_start3A_1168, %dma_start3A_1180, %dma_start3A_1181, %dma_start3A_1182] : memref<2x2x2x200x32xf32, #tpu.memory_space<vmem>> -> memref<1x1x2x200x32xf32, #tpu.memory_space<vmem>>
      %dma_start3A_1184 = tpu.memref_squeeze %dma_start3A_1183 : memref<1x1x2x200x32xf32, #tpu.memory_space<vmem>> -> memref<2x200x32xf32, #tpu.memory_space<vmem>>
      tpu.enqueue_dma source(%dma_start3A_1184 : memref<2x200x32xf32, #tpu.memory_space<vmem>>) target(%dma_start3A_1179 : memref<2x200x32xf32, #tpu.memory_space<hbm>>) target_semaphore(%arg10 : memref<!tpu.dma_semaphore, #tpu.memory_space<semaphore_mem>>)
      %dma_start3A_1185 = arith.constant 1 : i32
      %dma_start3A_1186 = arith.constant 1 : i32
      %dma_start3A_1187 = arith.constant 0 : i32
      %dma_start3A_1188 = arith.constant 0 : i32
      %dma_start3A_1189 = arith.constant 0 : i32
      %dma_start3A_1190 = tpu.memref_slice %arg7[%dma_start3A_1185, %dma_start3A_1186, %dma_start3A_1187, %dma_start3A_1188, %dma_start3A_1189] : memref<2x2x2x200x32xf32, #tpu.memory_space<vmem>> -> memref<1x1x2x200x32xf32, #tpu.memory_space<vmem>>
      %dma_start3A_1191 = tpu.memref_squeeze %dma_start3A_1190 : memref<1x1x2x200x32xf32, #tpu.memory_space<vmem>> -> memref<2x200x32xf32, #tpu.memory_space<vmem>>
      %dma_start3A_1192 = arith.constant 0 : i32
      %dma_start3A_1193 = arith.constant 32 : i32
      %dma_start3A_1194 = tpu.memref_slice %arg5[%add3A_914, %dma_start3A_1192, %dma_start3A_1193] : memref<4096x200x64xf32, #tpu.memory_space<hbm>> -> memref<2x200x32xf32, #tpu.memory_space<hbm>>
      %dma_start3A_1195 = arith.constant 0 : i32
      %dma_start3A_1196 = arith.constant 32 : i32
      %dma_start3A_1197 = tpu.memref_slice %arg5[%add3A_914, %dma_start3A_1195, %dma_start3A_1196] : memref<4096x200x64xf32, #tpu.memory_space<hbm>> -> memref<2x200x32xf32, #tpu.memory_space<hbm>>
      %dma_start3A_1198 = arith.constant 0 : i32
      %dma_start3A_1199 = arith.constant 0 : i32
      %dma_start3A_1200 = arith.constant 0 : i32
      %dma_start3A_1201 = tpu.memref_slice %arg7[%dma_start3A_1185, %dma_start3A_1186, %dma_start3A_1198, %dma_start3A_1199, %dma_start3A_1200] : memref<2x2x2x200x32xf32, #tpu.memory_space<vmem>> -> memref<1x1x2x200x32xf32, #tpu.memory_space<vmem>>
      %dma_start3A_1202 = tpu.memref_squeeze %dma_start3A_1201 : memref<1x1x2x200x32xf32, #tpu.memory_space<vmem>> -> memref<2x200x32xf32, #tpu.memory_space<vmem>>
      tpu.enqueue_dma source(%dma_start3A_1202 : memref<2x200x32xf32, #tpu.memory_space<vmem>>) target(%dma_start3A_1197 : memref<2x200x32xf32, #tpu.memory_space<hbm>>) target_semaphore(%arg12 : memref<!tpu.dma_semaphore, #tpu.memory_space<semaphore_mem>>)
    }
    %scan3A_533 = arith.constant 31 : i32
    %dma_wait3A_534 = arith.constant 0 : i32
    %dma_wait3A_535 = arith.constant 0 : i32
    %dma_wait3A_536 = arith.constant 0 : i32
    %dma_wait3A_537 = arith.constant 0 : i32
    %dma_wait3A_538 = arith.constant 0 : i32
    %dma_wait3A_539 = tpu.memref_slice %arg7[%dma_wait3A_534, %dma_wait3A_535, %dma_wait3A_536, %dma_wait3A_537, %dma_wait3A_538] : memref<2x2x2x200x32xf32, #tpu.memory_space<vmem>> -> memref<1x1x2x200x32xf32, #tpu.memory_space<vmem>>
    %dma_wait3A_540 = tpu.memref_squeeze %dma_wait3A_539 : memref<1x1x2x200x32xf32, #tpu.memory_space<vmem>> -> memref<2x200x32xf32, #tpu.memory_space<vmem>>
    %dma_wait3A_541 = arith.constant 0 : i32
    %dma_wait3A_542 = arith.constant 0 : i32
    %dma_wait3A_543 = tpu.memref_slice %arg5[%mul3A_2, %dma_wait3A_541, %dma_wait3A_542] : memref<4096x200x64xf32, #tpu.memory_space<hbm>> -> memref<2x200x32xf32, #tpu.memory_space<hbm>>
    %dma_wait3A_544 = arith.constant 0 : i32
    %dma_wait3A_545 = arith.constant 0 : i32
    %dma_wait3A_546 = tpu.memref_slice %arg5[%mul3A_2, %dma_wait3A_544, %dma_wait3A_545] : memref<4096x200x64xf32, #tpu.memory_space<hbm>> -> memref<2x200x32xf32, #tpu.memory_space<hbm>>
    %dma_wait3A_547 = arith.constant 0 : i32
    %dma_wait3A_548 = arith.constant 0 : i32
    %dma_wait3A_549 = arith.constant 0 : i32
    %dma_wait3A_550 = tpu.memref_slice %arg7[%dma_wait3A_534, %dma_wait3A_535, %dma_wait3A_547, %dma_wait3A_548, %dma_wait3A_549] : memref<2x2x2x200x32xf32, #tpu.memory_space<vmem>> -> memref<1x1x2x200x32xf32, #tpu.memory_space<vmem>>
    %dma_wait3A_551 = tpu.memref_squeeze %dma_wait3A_550 : memref<1x1x2x200x32xf32, #tpu.memory_space<vmem>> -> memref<2x200x32xf32, #tpu.memory_space<vmem>>
    tpu.wait_dma2 semaphore(%arg9 : memref<!tpu.dma_semaphore, #tpu.memory_space<semaphore_mem>>) src(%dma_wait3A_551 : memref<2x200x32xf32, #tpu.memory_space<vmem>>) dst(%dma_wait3A_546 : memref<2x200x32xf32, #tpu.memory_space<hbm>>)
    %dma_wait3A_552 = arith.constant 0 : i32
    %dma_wait3A_553 = arith.constant 1 : i32
    %dma_wait3A_554 = arith.constant 0 : i32
    %dma_wait3A_555 = arith.constant 0 : i32
    %dma_wait3A_556 = arith.constant 0 : i32
    %dma_wait3A_557 = tpu.memref_slice %arg7[%dma_wait3A_552, %dma_wait3A_553, %dma_wait3A_554, %dma_wait3A_555, %dma_wait3A_556] : memref<2x2x2x200x32xf32, #tpu.memory_space<vmem>> -> memref<1x1x2x200x32xf32, #tpu.memory_space<vmem>>
    %dma_wait3A_558 = tpu.memref_squeeze %dma_wait3A_557 : memref<1x1x2x200x32xf32, #tpu.memory_space<vmem>> -> memref<2x200x32xf32, #tpu.memory_space<vmem>>
    %dma_wait3A_559 = arith.constant 0 : i32
    %dma_wait3A_560 = arith.constant 32 : i32
    %dma_wait3A_561 = tpu.memref_slice %arg5[%mul3A_2, %dma_wait3A_559, %dma_wait3A_560] : memref<4096x200x64xf32, #tpu.memory_space<hbm>> -> memref<2x200x32xf32, #tpu.memory_space<hbm>>
    %dma_wait3A_562 = arith.constant 0 : i32
    %dma_wait3A_563 = arith.constant 32 : i32
    %dma_wait3A_564 = tpu.memref_slice %arg5[%mul3A_2, %dma_wait3A_562, %dma_wait3A_563] : memref<4096x200x64xf32, #tpu.memory_space<hbm>> -> memref<2x200x32xf32, #tpu.memory_space<hbm>>
    %dma_wait3A_565 = arith.constant 0 : i32
    %dma_wait3A_566 = arith.constant 0 : i32
    %dma_wait3A_567 = arith.constant 0 : i32
    %dma_wait3A_568 = tpu.memref_slice %arg7[%dma_wait3A_552, %dma_wait3A_553, %dma_wait3A_565, %dma_wait3A_566, %dma_wait3A_567] : memref<2x2x2x200x32xf32, #tpu.memory_space<vmem>> -> memref<1x1x2x200x32xf32, #tpu.memory_space<vmem>>
    %dma_wait3A_569 = tpu.memref_squeeze %dma_wait3A_568 : memref<1x1x2x200x32xf32, #tpu.memory_space<vmem>> -> memref<2x200x32xf32, #tpu.memory_space<vmem>>
    tpu.wait_dma2 semaphore(%arg11 : memref<!tpu.dma_semaphore, #tpu.memory_space<semaphore_mem>>) src(%dma_wait3A_569 : memref<2x200x32xf32, #tpu.memory_space<vmem>>) dst(%dma_wait3A_564 : memref<2x200x32xf32, #tpu.memory_space<hbm>>)
    %dma_wait3A_570 = arith.constant 1 : i32
    %dma_wait3A_571 = arith.constant 0 : i32
    %dma_wait3A_572 = arith.constant 0 : i32
    %dma_wait3A_573 = arith.constant 0 : i32
    %dma_wait3A_574 = arith.constant 0 : i32
    %dma_wait3A_575 = tpu.memref_slice %arg7[%dma_wait3A_570, %dma_wait3A_571, %dma_wait3A_572, %dma_wait3A_573, %dma_wait3A_574] : memref<2x2x2x200x32xf32, #tpu.memory_space<vmem>> -> memref<1x1x2x200x32xf32, #tpu.memory_space<vmem>>
    %dma_wait3A_576 = tpu.memref_squeeze %dma_wait3A_575 : memref<1x1x2x200x32xf32, #tpu.memory_space<vmem>> -> memref<2x200x32xf32, #tpu.memory_space<vmem>>
    %dma_wait3A_577 = arith.constant 0 : i32
    %dma_wait3A_578 = arith.constant 0 : i32
    %dma_wait3A_579 = tpu.memref_slice %arg5[%mul3A_2, %dma_wait3A_577, %dma_wait3A_578] : memref<4096x200x64xf32, #tpu.memory_space<hbm>> -> memref<2x200x32xf32, #tpu.memory_space<hbm>>
    %dma_wait3A_580 = arith.constant 0 : i32
    %dma_wait3A_581 = arith.constant 0 : i32
    %dma_wait3A_582 = tpu.memref_slice %arg5[%mul3A_2, %dma_wait3A_580, %dma_wait3A_581] : memref<4096x200x64xf32, #tpu.memory_space<hbm>> -> memref<2x200x32xf32, #tpu.memory_space<hbm>>
    %dma_wait3A_583 = arith.constant 0 : i32
    %dma_wait3A_584 = arith.constant 0 : i32
    %dma_wait3A_585 = arith.constant 0 : i32
    %dma_wait3A_586 = tpu.memref_slice %arg7[%dma_wait3A_570, %dma_wait3A_571, %dma_wait3A_583, %dma_wait3A_584, %dma_wait3A_585] : memref<2x2x2x200x32xf32, #tpu.memory_space<vmem>> -> memref<1x1x2x200x32xf32, #tpu.memory_space<vmem>>
    %dma_wait3A_587 = tpu.memref_squeeze %dma_wait3A_586 : memref<1x1x2x200x32xf32, #tpu.memory_space<vmem>> -> memref<2x200x32xf32, #tpu.memory_space<vmem>>
    tpu.wait_dma2 semaphore(%arg10 : memref<!tpu.dma_semaphore, #tpu.memory_space<semaphore_mem>>) src(%dma_wait3A_587 : memref<2x200x32xf32, #tpu.memory_space<vmem>>) dst(%dma_wait3A_582 : memref<2x200x32xf32, #tpu.memory_space<hbm>>)
    %dma_wait3A_588 = arith.constant 1 : i32
    %dma_wait3A_589 = arith.constant 1 : i32
    %dma_wait3A_590 = arith.constant 0 : i32
    %dma_wait3A_591 = arith.constant 0 : i32
    %dma_wait3A_592 = arith.constant 0 : i32
    %dma_wait3A_593 = tpu.memref_slice %arg7[%dma_wait3A_588, %dma_wait3A_589, %dma_wait3A_590, %dma_wait3A_591, %dma_wait3A_592] : memref<2x2x2x200x32xf32, #tpu.memory_space<vmem>> -> memref<1x1x2x200x32xf32, #tpu.memory_space<vmem>>
    %dma_wait3A_594 = tpu.memref_squeeze %dma_wait3A_593 : memref<1x1x2x200x32xf32, #tpu.memory_space<vmem>> -> memref<2x200x32xf32, #tpu.memory_space<vmem>>
    %dma_wait3A_595 = arith.constant 0 : i32
    %dma_wait3A_596 = arith.constant 32 : i32
    %dma_wait3A_597 = tpu.memref_slice %arg5[%mul3A_2, %dma_wait3A_595, %dma_wait3A_596] : memref<4096x200x64xf32, #tpu.memory_space<hbm>> -> memref<2x200x32xf32, #tpu.memory_space<hbm>>
    %dma_wait3A_598 = arith.constant 0 : i32
    %dma_wait3A_599 = arith.constant 32 : i32
    %dma_wait3A_600 = tpu.memref_slice %arg5[%mul3A_2, %dma_wait3A_598, %dma_wait3A_599] : memref<4096x200x64xf32, #tpu.memory_space<hbm>> -> memref<2x200x32xf32, #tpu.memory_space<hbm>>
    %dma_wait3A_601 = arith.constant 0 : i32
    %dma_wait3A_602 = arith.constant 0 : i32
    %dma_wait3A_603 = arith.constant 0 : i32
    %dma_wait3A_604 = tpu.memref_slice %arg7[%dma_wait3A_588, %dma_wait3A_589, %dma_wait3A_601, %dma_wait3A_602, %dma_wait3A_603] : memref<2x2x2x200x32xf32, #tpu.memory_space<vmem>> -> memref<1x1x2x200x32xf32, #tpu.memory_space<vmem>>
    %dma_wait3A_605 = tpu.memref_squeeze %dma_wait3A_604 : memref<1x1x2x200x32xf32, #tpu.memory_space<vmem>> -> memref<2x200x32xf32, #tpu.memory_space<vmem>>
    tpu.wait_dma2 semaphore(%arg12 : memref<!tpu.dma_semaphore, #tpu.memory_space<semaphore_mem>>) src(%dma_wait3A_605 : memref<2x200x32xf32, #tpu.memory_space<vmem>>) dst(%dma_wait3A_600 : memref<2x200x32xf32, #tpu.memory_space<hbm>>)
    return
  }
}

</mosaic_0001>

<sc_bundles>
// kernel: kernel.3.cloned.1.call-start
scs
__scs_entry_jumppad:
0x0: {  	(pc) =	sbr.rel $0x88, $3  }
0x1: {  	(tag) =	ssettag $0x0;
	lr =	simm.s32 $0x1  }
0x2: {  	[smem:$0x3F9F] =	sst lr;
	_ =	strace $0xD0000000  }
0x3: {  	_ = 	snop  }
0x4: {  	_ = 	snop  }
0x5: {  	_ = 	snop  }
0x6: {  	_ = 	snop  }
0x7: {  	_ = 	snop  }
__scs_overlays_trampoline_lowered:
0x8: {  	[smem:$0x3FAE] =	sst s0  }
0x9: {  	[smem:$0x3FAF] =	sst s1  }
0xa: {  	[smem:$0x3FB0] =	sst s2  }
0xb: {  	[smem:$0x3FB1] =	sst s3  }
0xc: {  	[smem:$0x3FB2] =	sst s4  }
0xd: {  	[smem:$0x3FB3] =	sst s5  }
0xe: {  	[smem:$0x3FB4] =	sst s6  }
0xf: {  	[smem:$0x3FB5] =	sst s7  }
0x10: {  	[smem:$0x3FB6] =	sst s8  }
0x11: {  	[smem:$0x3FB7] =	sst s9;
	s0 =	simm.s32 @!p0 $0x0  }
0x12: {  	s1 =	sld [smem:$0x3F9D];
	s0 =	simm.s32 @p0 $0x1  }
0x13: {  	[smem:$0x3FB8] =	sst s0;
	s0 =	simm.s32 @!p1 $0x0  }
0x14: {  	s2 =	sld [smem:$0x3F9C];
	s0 =	simm.s32 @p1 $0x1  }
0x15: {  	[smem:$0x3FB9] =	sst s0;
	s0 =	simm.s32 @!p2 $0x0  }
0x16: {  	s3 =	sld [smem:$0x3FDB];
	s0 =	simm.s32 @p2 $0x1  }
0x17: {  	s4 =	simm.s32 $0x1BF5;
	[smem:$0x3FBB] =	sst s0  }
0x18: {  	s0 =	sld [smem:$0x3F9E];
	_ =	swait.ge [sflag:s4], $0x0  }
0x19: {  	s7 =	sld [smem:$0x3F9F]  }
0x1a: {  	s8 =	sadd.s32 $0xFFFFE003, lr  }
0x1b: {  	s9 =	sadd.s32 $0xFFFFFEF7, lr;
	s5 =	simm.s32 $0xFFFFFFFF;
	p2 =	slt.u32 s8, $0xFFFFF086  }
0x1c: {  	p1 =	slt.u32 s9, $0xF7A;
	s5 =	simm.s32 @!p2 $0x0  }
0x1d: {  	s5 =	simm.s32 @p1 $0x1;
	p0 =	seq.s32 s7, s2  }
0x1e: {  	s7 =	smul.u32 @!p0 $0xF7A, s2;
	p2 =	seq.s32 @!p0 s5, $0x0  }
0x1f: {  	s9 =	smul.u32 $0xF7A, s1;
	s8 =	simm.s32 @!p0 $0x1BF5;
	p2 =	por !p2, p0  }
0x20: {  	[sflag:s8] =	ssyncset.s32 @!p0 $0xFFFFF086;
	s6 =	sadd.s32 @!p0 s3, s7;
	s7 =	simm.s32 @!p0 $0x108  }
0x21: {  	s3 =	sadd.s32 s3, s9;
	s6 =	sadd.s32 @!p0 $0x88, s6;
	s7 =	simm.s32 @p2 $0x1082  }
0x22: {  	[simem:s7], [sflag:s8] =	dma.local @!p0 [hbm:s6], $0xF7A  }
0x23: {  	s9 =	sor.u32 $0xD0000000, s2;
	s6 =	simm.s32 $0x108;
	_ =	swait.ge @!p0 [sflag:s8], $0x0  }
0x24: {  	s3 =	sadd.s32 $0x88, s3;
	s6 =	simm.s32 @!p1 $0x1082;
	[sflag:s4] =	ssyncset.s32 $0xFFFFF086  }
0x25: {  	[simem:s6], [sflag:s4] =	dma.local [hbm:s3], $0xF7A  }
0x26: {  	[smem:$0x3F9F] =	sst s1;
	(tag) =	ssettag s2;
	_ =	strace s9  }
0x27: {  	s1 =	sld [smem:$0x3FAF]  }
0x28: {  	s2 =	sld [smem:$0x3FB0]  }
0x29: {  	s4 =	sld [smem:$0x3FB2]  }
0x2a: {  	p0 =	seq.s32 s5, $0x0;
	s5 =	sld [smem:$0x3FB3]  }
0x2b: {  	s6 =	sld [smem:$0x3FB4]  }
0x2c: {  	s7 =	sld [smem:$0x3FB5]  }
0x2d: {  	s3 =	simm.s32 $0x108;
	s8 =	sld [smem:$0x3FB6]  }
0x2e: {  	s3 =	simm.s32 @!p0 $0x1082;
	s9 =	sld [smem:$0x3FB7]  }
0x2f: {  	lr =	sadd.s32 s0, s3;
	s0 =	sld [smem:$0x3FAE]  }
0x30: {  	s3 =	sld [smem:$0x3FB1]  }
0x31: {  	[smem:$0x3FBA] =	sst s10  }
0x32: {  	s10 =	sld [smem:$0x3FB8];
	_ =	sdelay $0x3  }
0x33: {  	p0 =	seq.s32 s10, $0x1;
	s10 =	sld [smem:$0x3FBA];
	_ =	sdelay $0x3  }
0x34: {  	[smem:$0x3FBA] =	sst s10  }
0x35: {  	s10 =	sld [smem:$0x3FB9];
	_ =	sdelay $0x3  }
0x36: {  	p1 =	seq.s32 s10, $0x1;
	s10 =	sld [smem:$0x3FBA];
	_ =	sdelay $0x3  }
0x37: {  	[smem:$0x3FBA] =	sst s10  }
0x38: {  	s10 =	sld [smem:$0x3FBB]  }
0x39: {  	_ = 	snop;
	(pc) =	sbr.ind lr, $3  }
0x3a: {  	_ = 	snop  }
0x3b: {  	_ = 	snop  }
0x3c: {  	p2 =	seq.s32 s10, $0x1;
	s10 =	sld [smem:$0x3FBA]  }
0x3d: {  	_ =	shalt  }
0x3e: {  	_ =	shalt  }
0x3f: {  	_ =	shalt  }
0x40: {  	_ =	shalt  }
0x41: {  	_ =	shalt  }
0x42: {  	_ =	shalt  }
0x43: {  	_ =	shalt  }
0x44: {  	_ =	shalt  }
0x45: {  	_ =	shalt  }
0x46: {  	_ =	shalt  }
0x47: {  	_ =	shalt  }
0x48: {  	_ =	shalt  }
0x49: {  	_ =	shalt  }
0x4a: {  	_ =	shalt  }
0x4b: {  	_ =	shalt  }
0x4c: {  	_ =	shalt  }
0x4d: {  	_ =	shalt  }
0x4e: {  	_ =	shalt  }
0x4f: {  	_ =	shalt  }
0x50: {  	_ =	shalt  }
0x51: {  	_ =	shalt  }
0x52: {  	_ =	shalt  }
0x53: {  	_ =	shalt  }
0x54: {  	_ =	shalt  }
0x55: {  	_ =	shalt  }
0x56: {  	_ =	shalt  }
0x57: {  	_ =	shalt  }
0x58: {  	_ =	shalt  }
0x59: {  	_ =	shalt  }
0x5a: {  	_ =	shalt  }
0x5b: {  	_ =	shalt  }
0x5c: {  	_ =	shalt  }
0x5d: {  	_ =	shalt  }
0x5e: {  	_ =	shalt  }
0x5f: {  	_ =	shalt  }
0x60: {  	_ =	shalt  }
0x61: {  	_ =	shalt  }
0x62: {  	_ =	shalt  }
0x63: {  	_ =	shalt  }
0x64: {  	_ =	shalt  }
0x65: {  	_ =	shalt  }
0x66: {  	_ =	shalt  }
0x67: {  	_ =	shalt  }
0x68: {  	_ =	shalt  }
0x69: {  	_ =	shalt  }
0x6a: {  	_ =	shalt  }
0x6b: {  	_ =	shalt  }
0x6c: {  	_ =	shalt  }
0x6d: {  	_ =	shalt  }
0x6e: {  	_ =	shalt  }
0x6f: {  	_ =	shalt  }
0x70: {  	_ =	shalt  }
0x71: {  	_ =	shalt  }
0x72: {  	_ =	shalt  }
0x73: {  	_ =	shalt  }
0x74: {  	_ =	shalt  }
0x75: {  	_ =	shalt  }
0x76: {  	_ =	shalt  }
0x77: {  	_ =	shalt  }
0x78: {  	_ =	shalt  }
0x79: {  	_ =	shalt  }
0x7a: {  	_ =	shalt  }
0x7b: {  	_ =	shalt  }
0x7c: {  	_ =	shalt  }
0x7d: {  	_ =	shalt  }
0x7e: {  	_ =	shalt  }
0x7f: {  	_ =	shalt  }
0x80: {  	_ =	shalt  }
0x81: {  	_ =	shalt  }
0x82: {  	_ =	shalt  }
0x83: {  	_ =	shalt  }
0x84: {  	_ =	shalt  }
0x85: {  	_ =	shalt  }
0x86: {  	_ =	shalt  }
0x87: {  	_ =	shalt  }
.Lfunc_end0:
.L_simem_size_0:
called_computation.1_lowered:
.L_overlay_start_0:
0x88: {  	s2 =	sld [smem:$0x3FD9]  }
0x89: {  	s3 =	sld [smem:$0x3FFE];
	_ =	sdelay $0x1  }
0x8a: {  	s1 =	srdreg.scid  }
0x8b: {  	s0 =	sand.u32 $0x1, s1  }
0x8c: {  	s17 =	sshll.u32 s0, $0xA;
	s2 =	sadd.s32 s3, s2  }
0x8d: {  	s2 =	sadd.s32 s2, s17  }
0x8e: {  	[smem:$0x3FC6] =	sst s2  }
0x8f: {  	_ = 	snop  }
0x90: {  	s2 =	sld [smem:$0x3FD0];
	(tm) =	ssettm $0x1  }
0x91: {  	s18 =	sld [smem:$0x3FFB];
	_ =	sdelay $0x3  }
0x92: {  	_ =	strace s18  }
0x93: {  	s3 =	sld [smem:$0x3FFC];
	_ =	sdelay $0x3  }
0x94: {  	_ =	strace s3  }
0x95: {  	s3 =	sld [smem:$0x3FFD];
	_ =	sdelay $0x3  }
0x96: {  	_ =	strace s3  }
0x97: {  	_ =	strace $0x8FFFFFFF  }
0x98: {  	s19 =	sld [smem:$0x3FDB];
	_ =	sdelay $0x1  }
0x99: {  	s4 =	simm.s32 $_scs_section_size  }
0x9a: {  	s5 =	simm.s32 $_size__tile_overlayer_lowered;
	s6 =	simm.s32 $_tile_overlayer_lowered  }
0x9b: {  	s22 =	simm.s32 $0x1BFF;
	s21 =	sshll.u32 s6, $0x1;
	s3 =	sadd.s32 s4, s19  }
0x9c: {  	s7 =	simm.s32 $0x0;
	s20 =	sshll.u32 s5, $0x1;
	s5 =	sadd.s32 s21, s3  }
0x9d: {  	[timem:s7], [sflag:s22] =	dma.local [hbm:s5], s20  }
0x9e: {  	_ =	swait.ge [sflag:s22], s20  }
0x9f: {  	s4 =	ssub.s32 $0x0, s20;
	[sflag:s22] =	ssyncset.done $0x0  }
0xa0: {  	[sflag:s22] =	ssyncadd.s32 s4;
	_ =	sdelay $0x1  }
0xa1: {  	s23 =	simm.s32 $0x1B8B  }
0xa2: {  	_ =	swait.ge [sflag:s23], $0x1  }
0xa3: {  	[sflag:s23] =	ssyncset.done $0x0  }
0xa4: {  	s25 =	simm.s32 $0x1B8E;
	s24 =	sld [smem:$0x3FFE];
	[sflag:s23] =	ssyncadd.s32 $0xFFFFFFFF  }
0xa5: {  	s26 =	simm.s32 $execute0_lowered;
	[smem:$0x3FD2] =	sst s25  }
0xa6: {  	s5 =	sshll.u32 s26, $0x1;
	_ =	strace $0x80000046;
	[dreg:$0x1] =	wrdreg $0xFFFFFFFF  }
0xa7: {  	s28 =	simm.s32 $_size_execute0_lowered;
	s3 =	sadd.s32 s3, s5;
	[dreg:$0x0] =	wrdreg $0x0  }
0xa8: {  	s5 =	sshll.u32 s28, $0x1;
	[dreg:$0x2] =	wrdreg s3  }
0xa9: {  	[dreg:$0x3] =	wrdreg s5  }
0xaa: {  	[dreg:$0x4] =	wrdreg $0xC0  }
0xab: {  	_ =	task [dreg:s7], $0x5FFFF  }
0xac: {  	[dreg:$0x1] =	wrdreg $0xFFFFFFFF  }
0xad: {  	[dreg:$0x0] =	wrdreg $0x60  }
0xae: {  	[dreg:$0x2] =	wrdreg s24  }
0xaf: {  	[dreg:$0x3] =	wrdreg s2  }
0xb0: {  	[dreg:$0x4] =	wrdreg $0x9  }
0xb1: {  	_ =	task.clear_ibuf [dreg:s7], $0x5FFFF;
	_ =	strace $0x90000046  }
0xb2: {  	s29 =	simm.s32 $0x9;
	_ =	strace $0x80000048  }
0xb3: {  	_ =	swait.ge [sflag:s29], $0x1  }
0xb4: {  	[sflag:s29] =	ssyncadd.s32 $0xFFFFFFFF  }
0xb5: {  	_ =	strace $0x90000048  }
0xb6: {  	_ =	sfence  }
0xb7: {  	s30 =	sld [smem:$0x0];
	_ =	sdelay $0x2  }
0xb8: {  	s31 =	sshll.u32 s1, $0xD;
	s1 =	sshrl.u32 s1, $0x2  }
0xb9: {  	s3 =	sand.u32 $0x4000, s31;
	s1 =	sadd.s32 s1, s30  }
0xba: {  	s0 =	sor.u32 s3, s0;
	s1 =	sshll.u32 s1, $0x11  }
0xbb: {  	s0 =	sor.u32 s1, s0  }
0xbc: {  	s0 =	sadd.s32 $0x8F2B, s0  }
0xbd: {  	[sflag:s0] =	ssyncadd.remote.s32 $0x1  }
0xbe: {  	_ =	sfence.sel $0xFFFF  }
0xbf: {  	[dreg:$0x0] =	wrdreg $0xFFFFFFFF;
	(pc) =	sbr.abs _section_cstart, $3  }
0xc0: {  	[dreg:$0x1] =	wrdreg $0xFFFFFFFF  }
0xc1: {  	_ =	task.clear_ibuf [dreg:s7], $0x2FFFF;
	_ =	strace $0x9FFFFFFF  }
0xc2: {  	(tm) =	ssettm $0x7FFFFFFF  }
0xc3: {  	_ =	shalt  }
tec
execute0_lowered:
.L_overlay_start_1:
0x0: {  	(tag) =	ssettag $0x1  }
0x1: {  	s0 =	rddreg [dreg:$0x0]  }
0x2: {  	s1 =	rddreg [dreg:$0x1]  }
0x3: {  	s2 =	srdreg.scid;
	s9 =	stileid.u32;
	s5 =	simm.s32 $0x0  }
0x4: {  	s13 =	simm.s32 $0x80;
	s14 =	simm.s32 $0x6400;
	s15 =	simm.s32 $0x48  }
0x5: {  	s11 =	simm.s32 $0x7400;
	s17 =	simm.s32 $0x9600;
	s12 =	simm.s32 $0xA600  }
0x6: {  	s16 =	simm.s32 $0x7D00;
	s18 =	simm.s32 $0x8D00;
	s28 =	simm.s32 $0x40  }
0x7: {  	s30 =	simm.s32 $0xC800;
	s10 =	simm.s32 $0x10A00;
	s29 =	simm.s32 $0x2  }
0x8: {  	s31 =	simm.s32 $0x4;
	s2 =	sand.u32 $0x1, s2;
	s3 =	sshll.u32 s9, $0x8  }
0x9: {  	[smem:$0x7FF] =	sst s5;
	s9 =	smul.u32 $0x64000, s9;
	s5 =	simm.s32 $0xBF00  }
0xa: {  	s4 =	sshll.u32 s2, $0x7;
	_ =	strace $0x80000047;
	s6 =	ssub.s32 $0x2, s2  }
0xb: {  	s2 =	smul.u32 $0x32000, s2;
	s4 =	sor.u32 s4, s3;
	s3 =	sadd.s32 $0xC00, s0  }
0xc: {  	s8 =	sshrl.u32 s6, $0x1;
	s22 =	sadd.s32 s9, s1;
	s19 =	smul.u32 $0x19, s4  }
0xd: {  	s9 =	simm.s32 $0x5;
	s7 =	smul.u32 $0x640, s4;
	s4 =	sadd.s32 $0x1313A00, s0  }
0xe: {  	s20 =	ssub.s32 s6, s8;
	s8 =	simm.s32 $0xD800;
	s6 =	simm.s32 $0x0  }
0xf: {  	s26 =	smax.u32 s20, $0x1;
	s20 =	simm.s32 $0x11300;
	s0 =	sadd.s32 s19, s0  }
0x10: {  	s21 =	sadd.s32 s1, s7;
	[dreg:$0x8] =	wrdreg s26;
	s26 =	simm.s32 $0x20  }
0x11: {  	s1 =	simm.s32 $0xFA00;
	s0 =	sadd.s32 $0x3D1600, s0;
	[dreg:$0x4] =	wrdreg s21  }
0x12: {  	s19 =	simm.s32 $0xE100;
	s23 =	sadd.s32 $0x4, s21;
	[dreg:$0x3] =	wrdreg s0  }
0x13: {  	s7 =	simm.s32 $0x3;
	s24 =	sadd.s32 $0xC80, s21;
	[dreg:$0x5] =	wrdreg s23  }
0x14: {  	s25 =	sadd.s32 $0xC84, s21;
	s21 =	simm.s32 $0xF100;
	[dreg:$0x6] =	wrdreg s24  }
0x15: {  	s0 =	sadd.s32 s2, s22;
	[dreg:$0x7] =	wrdreg s25;
	s25 =	simm.s32 $0x1  }
0x16: {  	s22 =	simm.s32 $0x12300;
	s23 =	simm.s32 $0x7D00;
	s0 =	sadd.s32 $0x2584, s0  }
0x17: {  	s24 =	simm.s32 $0x8D00;
	[dreg:$0x9] =	wrdreg s0;
	s0 =	simm.s32 $0xAF00  }
.LBB2_1:
0x18: {  	[dreg:$0xa] =	wrdreg s6  }
0x19: {  	s2 =	simm.s32 $0x0;
	s6 =	rddreg [dreg:$0x3]  }
0x1a: {  	[tilespmem:s2], [sflag:$0x6] =	stream.linear.gather [hbm4b:s6+s2], $0x6400, $0x38;
	[tilespmem:$0x12C00] =	vst v63  }
0x1b: {  	s6 =	simm.s32 $0x6  }
0x1c: {  	_ =	swait.ge [sflag:s6], $0x6400  }
0x1d: {  	[sflag:s6] =	ssyncset.done $0x0  }
0x1e: {  	[sflag:s6] =	ssyncadd.s32 $0xFFFF9C00  }
0x1f: {  	[tilespmem:s14], [sflag:$0x1] =	stream.indirect.gather [hbm4b:s3+s13], $0x20, s2, s13, $0xb8;
	[tilespmem:$0x12C00] =	vst v63  }
0x20: {  	_ = 	snop  }
0x21: {  	[tilespmem:s11], [sflag:$0x1] =	stream.indirect.gather [hbm4b:s3+s15], $0x20, s13, s15, $0xb8;
	[tilespmem:$0x12C00] =	vst v63  }
0x22: {  	_ = 	snop  }
0x23: {  	[tilespmem:s17], [sflag:$0x1] =	stream.indirect.gather [hbm4b:s4+s13], $0x20, s2, s13, $0xb8;
	[tilespmem:$0x12C00] =	vst v63  }
0x24: {  	_ = 	snop  }
0x25: {  	[tilespmem:s12], [sflag:$0x1] =	stream.indirect.gather [hbm4b:s4+s15], $0x20, s13, s15, $0xb8;
	[tilespmem:$0x12C00] =	vst v63  }
0x26: {  	s2 =	simm.s32 $0xC8  }
0x27: {  	[tilespmem:s16], [sflag:$0x1] =	stream.indirect.gather [hbm4b:s3+s13], $0x20, s2, s13, $0xb8;
	[tilespmem:$0x12C00] =	vst v63  }
0x28: {  	s6 =	simm.s32 $0x148  }
0x29: {  	[tilespmem:s18], [sflag:$0x1] =	stream.indirect.gather [hbm4b:s3+s15], $0x20, s6, s15, $0xb8;
	[tilespmem:$0x12C00] =	vst v63  }
0x2a: {  	_ = 	snop  }
0x2b: {  	[tilespmem:s0], [sflag:$0x1] =	stream.indirect.gather [hbm4b:s4+s13], $0x20, s2, s13, $0xb8;
	[tilespmem:$0x12C00] =	vst v63  }
0x2c: {  	_ = 	snop  }
0x2d: {  	[tilespmem:s5], [sflag:$0x1] =	stream.indirect.gather [hbm4b:s4+s15], $0x20, s6, s15, $0xb8;
	[tilespmem:$0x12C00] =	vst v63  }
0x2e: {  	_ =	swait.ge [sflag:s25], $0x1000  }
0x2f: {  	[sflag:s25] =	ssyncset.done $0x0  }
0x30: {  	[sflag:s25] =	ssyncadd.s32 $0xFFFFF000  }
0x31: {  	_ =	swait.ge [sflag:s25], $0x900  }
0x32: {  	[sflag:s25] =	ssyncset.done $0x0  }
0x33: {  	[sflag:s25] =	ssyncadd.s32 $0xFFFFF700  }
0x34: {  	_ =	swait.ge [sflag:s25], $0x1000  }
0x35: {  	[sflag:s25] =	ssyncset.done $0x0  }
0x36: {  	[sflag:s25] =	ssyncadd.s32 $0xFFFFF000  }
0x37: {  	_ =	swait.ge [sflag:s25], $0x900  }
0x38: {  	[sflag:s25] =	ssyncset.done $0x0  }
0x39: {  	[sflag:s25] =	ssyncadd.s32 $0xFFFFF700  }
0x3a: {  	_ =	swait.ge [sflag:s25], $0x1000  }
0x3b: {  	[sflag:s25] =	ssyncset.done $0x0  }
0x3c: {  	[sflag:s25] =	ssyncadd.s32 $0xFFFFF000  }
0x3d: {  	_ =	swait.ge [sflag:s25], $0x900  }
0x3e: {  	[sflag:s25] =	ssyncset.done $0x0  }
0x3f: {  	[sflag:s25] =	ssyncadd.s32 $0xFFFFF700  }
0x40: {  	_ =	swait.ge [sflag:s25], $0x1000  }
0x41: {  	[sflag:s25] =	ssyncset.done $0x0  }
0x42: {  	[sflag:s25] =	ssyncadd.s32 $0xFFFFF000  }
0x43: {  	_ =	swait.ge [sflag:s25], $0x900  }
0x44: {  	[sflag:s25] =	ssyncset.done $0x0  }
0x45: {  	s6 =	rddreg [dreg:$0x4];
	[sflag:s25] =	ssyncadd.s32 $0xFFFFF700  }
0x46: {  	[hbm4b:s6+s26] =	stream.strided.scatter [tilespmem:s14], [sflag:$0x2], $0x3200, s28, s26, $0x38;
	[tilespmem:$0x12C00] =	vst v63  }
0x47: {  	s6 =	rddreg [dreg:$0x5]  }
0x48: {  	[hbm4b:s6+s26] =	stream.strided.scatter [tilespmem:s17], [sflag:$0x4], $0x3200, s28, s26, $0x38;
	[tilespmem:$0x12C00] =	vst v63  }
0x49: {  	s2 =	simm.s32 $0x190  }
0x4a: {  	[tilespmem:s30], [sflag:$0x1] =	stream.indirect.gather [hbm4b:s3+s13], $0x20, s2, s13, $0xb8;
	[tilespmem:$0x12C00] =	vst v63  }
0x4b: {  	s6 =	simm.s32 $0x210  }
0x4c: {  	[tilespmem:s8], [sflag:$0x1] =	stream.indirect.gather [hbm4b:s3+s15], $0x20, s6, s15, $0xb8;
	[tilespmem:$0x12C00] =	vst v63  }
0x4d: {  	_ = 	snop  }
0x4e: {  	[tilespmem:s1], [sflag:$0x1] =	stream.indirect.gather [hbm4b:s4+s13], $0x20, s2, s13, $0xb8;
	[tilespmem:$0x12C00] =	vst v63  }
0x4f: {  	_ = 	snop  }
0x50: {  	[tilespmem:s10], [sflag:$0x1] =	stream.indirect.gather [hbm4b:s4+s15], $0x20, s6, s15, $0xb8;
	[tilespmem:$0x12C00] =	vst v63  }
0x51: {  	s2 =	simm.s32 $0x258  }
0x52: {  	[tilespmem:s19], [sflag:$0x1] =	stream.indirect.gather [hbm4b:s3+s13], $0x20, s2, s13, $0xb8;
	[tilespmem:$0x12C00] =	vst v63  }
0x53: {  	s6 =	simm.s32 $0x2D8  }
0x54: {  	[tilespmem:s21], [sflag:$0x1] =	stream.indirect.gather [hbm4b:s3+s15], $0x20, s6, s15, $0xb8;
	[tilespmem:$0x12C00] =	vst v63  }
0x55: {  	_ = 	snop  }
0x56: {  	[tilespmem:s20], [sflag:$0x1] =	stream.indirect.gather [hbm4b:s4+s13], $0x20, s2, s13, $0xb8;
	[tilespmem:$0x12C00] =	vst v63  }
0x57: {  	_ = 	snop  }
0x58: {  	[tilespmem:s22], [sflag:$0x1] =	stream.indirect.gather [hbm4b:s4+s15], $0x20, s6, s15, $0xb8;
	[tilespmem:$0x12C00] =	vst v63  }
0x59: {  	_ =	swait.ge [sflag:s25], $0x1000  }
0x5a: {  	[sflag:s25] =	ssyncset.done $0x0  }
0x5b: {  	[sflag:s25] =	ssyncadd.s32 $0xFFFFF000  }
0x5c: {  	_ =	swait.ge [sflag:s25], $0x900  }
0x5d: {  	[sflag:s25] =	ssyncset.done $0x0  }
0x5e: {  	[sflag:s25] =	ssyncadd.s32 $0xFFFFF700  }
0x5f: {  	_ =	swait.ge [sflag:s25], $0x1000  }
0x60: {  	[sflag:s25] =	ssyncset.done $0x0  }
0x61: {  	[sflag:s25] =	ssyncadd.s32 $0xFFFFF000  }
0x62: {  	_ =	swait.ge [sflag:s25], $0x900  }
0x63: {  	[sflag:s25] =	ssyncset.done $0x0  }
0x64: {  	[sflag:s25] =	ssyncadd.s32 $0xFFFFF700  }
0x65: {  	_ =	swait.ge [sflag:s25], $0x1000  }
0x66: {  	[sflag:s25] =	ssyncset.done $0x0  }
0x67: {  	[sflag:s25] =	ssyncadd.s32 $0xFFFFF000  }
0x68: {  	_ =	swait.ge [sflag:s25], $0x900  }
0x69: {  	[sflag:s25] =	ssyncset.done $0x0  }
0x6a: {  	[sflag:s25] =	ssyncadd.s32 $0xFFFFF700  }
0x6b: {  	_ =	swait.ge [sflag:s25], $0x1000  }
0x6c: {  	[sflag:s25] =	ssyncset.done $0x0  }
0x6d: {  	[sflag:s25] =	ssyncadd.s32 $0xFFFFF000  }
0x6e: {  	_ =	swait.ge [sflag:s25], $0x900  }
0x6f: {  	[sflag:s25] =	ssyncset.done $0x0  }
0x70: {  	s6 =	rddreg [dreg:$0x6];
	[sflag:s25] =	ssyncadd.s32 $0xFFFFF700  }
0x71: {  	[hbm4b:s6+s26] =	stream.strided.scatter [tilespmem:s30], [sflag:$0x3], $0x3200, s28, s26, $0x38;
	[tilespmem:$0x12C00] =	vst v63  }
0x72: {  	s6 =	rddreg [dreg:$0x7]  }
0x73: {  	[hbm4b:s6+s26] =	stream.strided.scatter [tilespmem:s1], [sflag:$0x5], $0x3200, s28, s26, $0x38;
	[tilespmem:$0x12C00] =	vst v63  }
0x74: {  	_ =	swait.ge [sflag:s29], $0x3200  }
0x75: {  	[sflag:s29] =	ssyncset.done $0x0  }
0x76: {  	[sflag:s29] =	ssyncadd.s32 $0xFFFFCE00  }
0x77: {  	_ =	swait.ge [sflag:s31], $0x3200  }
0x78: {  	[sflag:s31] =	ssyncset.done $0x0  }
0x79: {  	s2 =	simm.s32 $0x320;
	[sflag:s31] =	ssyncadd.s32 $0xFFFFCE00  }
0x7a: {  	[tilespmem:s14], [sflag:$0x1] =	stream.indirect.gather [hbm4b:s3+s13], $0x20, s2, s13, $0xb8;
	[tilespmem:$0x12C00] =	vst v63  }
0x7b: {  	s6 =	simm.s32 $0x3A0  }
0x7c: {  	[tilespmem:s11], [sflag:$0x1] =	stream.indirect.gather [hbm4b:s3+s15], $0x20, s6, s15, $0xb8;
	[tilespmem:$0x12C00] =	vst v63  }
0x7d: {  	_ = 	snop  }
0x7e: {  	[tilespmem:s17], [sflag:$0x1] =	stream.indirect.gather [hbm4b:s4+s13], $0x20, s2, s13, $0xb8;
	[tilespmem:$0x12C00] =	vst v63  }
0x7f: {  	_ = 	snop  }
0x80: {  	[tilespmem:s12], [sflag:$0x1] =	stream.indirect.gather [hbm4b:s4+s15], $0x20, s6, s15, $0xb8;
	[tilespmem:$0x12C00] =	vst v63  }
0x81: {  	s12 =	simm.s32 $0x3E8  }
0x82: {  	[tilespmem:s16], [sflag:$0x1] =	stream.indirect.gather [hbm4b:s3+s13], $0x20, s12, s13, $0xb8;
	[tilespmem:$0x12C00] =	vst v63  }
0x83: {  	s16 =	simm.s32 $0x468  }
0x84: {  	[tilespmem:s18], [sflag:$0x1] =	stream.indirect.gather [hbm4b:s3+s15], $0x20, s16, s15, $0xb8;
	[tilespmem:$0x12C00] =	vst v63  }
0x85: {  	_ = 	snop  }
0x86: {  	[tilespmem:s0], [sflag:$0x1] =	stream.indirect.gather [hbm4b:s4+s13], $0x20, s12, s13, $0xb8;
	[tilespmem:$0x12C00] =	vst v63  }
0x87: {  	_ = 	snop  }
0x88: {  	[tilespmem:s5], [sflag:$0x1] =	stream.indirect.gather [hbm4b:s4+s15], $0x20, s16, s15, $0xb8;
	[tilespmem:$0x12C00] =	vst v63  }
0x89: {  	_ =	swait.ge [sflag:s25], $0x1000  }
0x8a: {  	[sflag:s25] =	ssyncset.done $0x0  }
0x8b: {  	[sflag:s25] =	ssyncadd.s32 $0xFFFFF000  }
0x8c: {  	_ =	swait.ge [sflag:s25], $0x900  }
0x8d: {  	[sflag:s25] =	ssyncset.done $0x0  }
0x8e: {  	[sflag:s25] =	ssyncadd.s32 $0xFFFFF700  }
0x8f: {  	_ =	swait.ge [sflag:s25], $0x1000  }
0x90: {  	[sflag:s25] =	ssyncset.done $0x0  }
0x91: {  	[sflag:s25] =	ssyncadd.s32 $0xFFFFF000  }
0x92: {  	_ =	swait.ge [sflag:s25], $0x900  }
0x93: {  	[sflag:s25] =	ssyncset.done $0x0  }
0x94: {  	[sflag:s25] =	ssyncadd.s32 $0xFFFFF700  }
0x95: {  	_ =	swait.ge [sflag:s25], $0x1000  }
0x96: {  	[sflag:s25] =	ssyncset.done $0x0  }
0x97: {  	[sflag:s25] =	ssyncadd.s32 $0xFFFFF000  }
0x98: {  	_ =	swait.ge [sflag:s25], $0x900  }
0x99: {  	[sflag:s25] =	ssyncset.done $0x0  }
0x9a: {  	[sflag:s25] =	ssyncadd.s32 $0xFFFFF700  }
0x9b: {  	_ =	swait.ge [sflag:s25], $0x1000  }
0x9c: {  	[sflag:s25] =	ssyncset.done $0x0  }
0x9d: {  	[sflag:s25] =	ssyncadd.s32 $0xFFFFF000  }
0x9e: {  	_ =	swait.ge [sflag:s25], $0x900  }
0x9f: {  	[sflag:s25] =	ssyncset.done $0x0;
	s11 =	rddreg [dreg:$0x9]  }
0xa0: {  	s5 =	sadd.s32 $0xFFFFF37C, s11;
	[sflag:s25] =	ssyncadd.s32 $0xFFFFF700  }
0xa1: {  	[hbm4b:s5+s26] =	stream.strided.scatter [tilespmem:s14], [sflag:$0x2], $0x3200, s28, s26, $0x38;
	[tilespmem:$0x12C00] =	vst v63  }
0xa2: {  	s6 =	sadd.s32 $0xFFFFF380, s11  }
0xa3: {  	[hbm4b:s6+s26] =	stream.strided.scatter [tilespmem:s17], [sflag:$0x4], $0x3200, s28, s26, $0x38;
	[tilespmem:$0x12C00] =	vst v63  }
0xa4: {  	_ =	swait.ge [sflag:s7], $0x3200  }
0xa5: {  	[sflag:s7] =	ssyncset.done $0x0  }
0xa6: {  	[sflag:s7] =	ssyncadd.s32 $0xFFFFCE00  }
0xa7: {  	_ =	swait.ge [sflag:s9], $0x3200  }
0xa8: {  	[sflag:s9] =	ssyncset.done $0x0  }
0xa9: {  	s12 =	simm.s32 $0x4B0;
	[sflag:s9] =	ssyncadd.s32 $0xFFFFCE00  }
0xaa: {  	[tilespmem:s30], [sflag:$0x1] =	stream.indirect.gather [hbm4b:s3+s13], $0x20, s12, s13, $0xb8;
	[tilespmem:$0x12C00] =	vst v63  }
0xab: {  	s16 =	simm.s32 $0x530  }
0xac: {  	[tilespmem:s8], [sflag:$0x1] =	stream.indirect.gather [hbm4b:s3+s15], $0x20, s16, s15, $0xb8;
	[tilespmem:$0x12C00] =	vst v63  }
0xad: {  	_ = 	snop  }
0xae: {  	[tilespmem:s1], [sflag:$0x1] =	stream.indirect.gather [hbm4b:s4+s13], $0x20, s12, s13, $0xb8;
	[tilespmem:$0x12C00] =	vst v63  }
0xaf: {  	_ = 	snop  }
0xb0: {  	[tilespmem:s10], [sflag:$0x1] =	stream.indirect.gather [hbm4b:s4+s15], $0x20, s16, s15, $0xb8;
	[tilespmem:$0x12C00] =	vst v63  }
0xb1: {  	s18 =	simm.s32 $0x578  }
0xb2: {  	[tilespmem:s19], [sflag:$0x1] =	stream.indirect.gather [hbm4b:s3+s13], $0x20, s18, s13, $0xb8;
	[tilespmem:$0x12C00] =	vst v63  }
0xb3: {  	s19 =	simm.s32 $0x5F8  }
0xb4: {  	[tilespmem:s21], [sflag:$0x1] =	stream.indirect.gather [hbm4b:s3+s15], $0x20, s19, s15, $0xb8;
	[tilespmem:$0x12C00] =	vst v63  }
0xb5: {  	_ = 	snop  }
0xb6: {  	[tilespmem:s20], [sflag:$0x1] =	stream.indirect.gather [hbm4b:s4+s13], $0x20, s18, s13, $0xb8;
	[tilespmem:$0x12C00] =	vst v63  }
0xb7: {  	_ = 	snop  }
0xb8: {  	[tilespmem:s22], [sflag:$0x1] =	stream.indirect.gather [hbm4b:s4+s15], $0x20, s19, s15, $0xb8;
	[tilespmem:$0x12C00] =	vst v63  }
0xb9: {  	_ =	swait.ge [sflag:s25], $0x1000  }
0xba: {  	[sflag:s25] =	ssyncset.done $0x0  }
0xbb: {  	[sflag:s25] =	ssyncadd.s32 $0xFFFFF000  }
0xbc: {  	_ =	swait.ge [sflag:s25], $0x900  }
0xbd: {  	[sflag:s25] =	ssyncset.done $0x0  }
0xbe: {  	[sflag:s25] =	ssyncadd.s32 $0xFFFFF700  }
0xbf: {  	_ =	swait.ge [sflag:s25], $0x1000  }
0xc0: {  	[sflag:s25] =	ssyncset.done $0x0  }
0xc1: {  	[sflag:s25] =	ssyncadd.s32 $0xFFFFF000  }
0xc2: {  	_ =	swait.ge [sflag:s25], $0x900  }
0xc3: {  	[sflag:s25] =	ssyncset.done $0x0  }
0xc4: {  	[sflag:s25] =	ssyncadd.s32 $0xFFFFF700  }
0xc5: {  	_ =	swait.ge [sflag:s25], $0x1000  }
0xc6: {  	[sflag:s25] =	ssyncset.done $0x0  }
0xc7: {  	[sflag:s25] =	ssyncadd.s32 $0xFFFFF000  }
0xc8: {  	_ =	swait.ge [sflag:s25], $0x900  }
0xc9: {  	[sflag:s25] =	ssyncset.done $0x0  }
0xca: {  	[sflag:s25] =	ssyncadd.s32 $0xFFFFF700  }
0xcb: {  	_ =	swait.ge [sflag:s25], $0x1000  }
0xcc: {  	[sflag:s25] =	ssyncset.done $0x0  }
0xcd: {  	s2 =	simm.s32 $0xC80;
	[sflag:s25] =	ssyncadd.s32 $0xFFFFF000  }
0xce: {  	s0 =	simm.s32 $0x12300;
	s8 =	simm.s32 $0xD800;
	_ =	swait.ge [sflag:s25], $0x900  }
0xcf: {  	s12 =	sadd.s32 $0x1900, s11;
	s10 =	simm.s32 $0x10A00;
	[sflag:s25] =	ssyncset.done $0x0  }
0xd0: {  	s21 =	simm.s32 $0xF100;
	s22 =	sadd.s32 $0xFFFFFFFC, s11;
	[sflag:s25] =	ssyncadd.s32 $0xFFFFF700  }
0xd1: {  	[hbm4b:s22+s26] =	stream.strided.scatter [tilespmem:s30], [sflag:$0x3], $0x3200, s28, s26, $0x38;
	[tilespmem:$0x12C00] =	vst v63  }
0xd2: {  	s20 =	simm.s32 $0x11300;
	s19 =	simm.s32 $0xE100;
	s22 =	simm.s32 $0xA600  }
.LBB2_2:
0xd3: {  	[hbm4b:s11+s26] =	stream.strided.scatter [tilespmem:s1], [sflag:$0x5], $0x3200, s28, s26, $0x38;
	[tilespmem:$0x12C00] =	vst v63  }
0xd4: {  	s6 =	smov.u32 s2;
	s11 =	smov.u32 s12  }
0xd5: {  	p0 =	sne.s32 s2, $0x17700;
	s2 =	sadd.s32 $0xC80, s2;
	_ =	swait.ge [sflag:s29], $0x3200  }
0xd6: {  	[sflag:s29] =	ssyncset.done $0x0  }
0xd7: {  	[sflag:s29] =	ssyncadd.s32 $0xFFFFCE00  }
0xd8: {  	_ =	swait.ge [sflag:s31], $0x3200  }
0xd9: {  	s6 =	sshra.s32 s6, $0x2;
	[sflag:s31] =	ssyncset.done $0x0  }
0xda: {  	s16 =	sadd.s32 $0x320, s6;
	[sflag:s31] =	ssyncadd.s32 $0xFFFFCE00  }
0xdb: {  	[tilespmem:s14], [sflag:$0x1] =	stream.indirect.gather [hbm4b:s3+s13], $0x20, s16, s13, $0xb8;
	[tilespmem:$0x12C00] =	vst v63  }
0xdc: {  	s5 =	simm.s32 $0x7400;
	s18 =	sadd.s32 $0x3A0, s6  }
0xdd: {  	[tilespmem:s5], [sflag:$0x1] =	stream.indirect.gather [hbm4b:s3+s15], $0x20, s18, s15, $0xb8;
	[tilespmem:$0x12C00] =	vst v63  }
0xde: {  	_ = 	snop  }
0xdf: {  	[tilespmem:s17], [sflag:$0x1] =	stream.indirect.gather [hbm4b:s4+s13], $0x20, s16, s13, $0xb8;
	[tilespmem:$0x12C00] =	vst v63  }
0xe0: {  	_ = 	snop  }
0xe1: {  	[tilespmem:s22], [sflag:$0x1] =	stream.indirect.gather [hbm4b:s4+s15], $0x20, s18, s15, $0xb8;
	[tilespmem:$0x12C00] =	vst v63  }
0xe2: {  	s16 =	sadd.s32 $0x3E8, s6  }
0xe3: {  	[tilespmem:s23], [sflag:$0x1] =	stream.indirect.gather [hbm4b:s3+s13], $0x20, s16, s13, $0xb8;
	[tilespmem:$0x12C00] =	vst v63  }
0xe4: {  	s18 =	sadd.s32 $0x468, s6  }
0xe5: {  	[tilespmem:s24], [sflag:$0x1] =	stream.indirect.gather [hbm4b:s3+s15], $0x20, s18, s15, $0xb8;
	[tilespmem:$0x12C00] =	vst v63  }
0xe6: {  	s5 =	simm.s32 $0xAF00  }
0xe7: {  	[tilespmem:s5], [sflag:$0x1] =	stream.indirect.gather [hbm4b:s4+s13], $0x20, s16, s13, $0xb8;
	[tilespmem:$0x12C00] =	vst v63  }
0xe8: {  	s5 =	simm.s32 $0xBF00  }
0xe9: {  	[tilespmem:s5], [sflag:$0x1] =	stream.indirect.gather [hbm4b:s4+s15], $0x20, s18, s15, $0xb8;
	[tilespmem:$0x12C00] =	vst v63  }
0xea: {  	_ =	swait.ge [sflag:s25], $0x1000  }
0xeb: {  	[sflag:s25] =	ssyncset.done $0x0  }
0xec: {  	[sflag:s25] =	ssyncadd.s32 $0xFFFFF000  }
0xed: {  	_ =	swait.ge [sflag:s25], $0x900  }
0xee: {  	[sflag:s25] =	ssyncset.done $0x0  }
0xef: {  	[sflag:s25] =	ssyncadd.s32 $0xFFFFF700  }
0xf0: {  	_ =	swait.ge [sflag:s25], $0x1000  }
0xf1: {  	[sflag:s25] =	ssyncset.done $0x0  }
0xf2: {  	[sflag:s25] =	ssyncadd.s32 $0xFFFFF000  }
0xf3: {  	_ =	swait.ge [sflag:s25], $0x900  }
0xf4: {  	[sflag:s25] =	ssyncset.done $0x0  }
0xf5: {  	[sflag:s25] =	ssyncadd.s32 $0xFFFFF700  }
0xf6: {  	_ =	swait.ge [sflag:s25], $0x1000  }
0xf7: {  	[sflag:s25] =	ssyncset.done $0x0  }
0xf8: {  	[sflag:s25] =	ssyncadd.s32 $0xFFFFF000  }
0xf9: {  	_ =	swait.ge [sflag:s25], $0x900  }
0xfa: {  	[sflag:s25] =	ssyncset.done $0x0  }
0xfb: {  	[sflag:s25] =	ssyncadd.s32 $0xFFFFF700  }
0xfc: {  	_ =	swait.ge [sflag:s25], $0x1000  }
0xfd: {  	[sflag:s25] =	ssyncset.done $0x0  }
0xfe: {  	[sflag:s25] =	ssyncadd.s32 $0xFFFFF000  }
0xff: {  	_ =	swait.ge [sflag:s25], $0x900  }
0x100: {  	[sflag:s25] =	ssyncset.done $0x0  }
0x101: {  	s16 =	sadd.s32 $0xFFFFF37C, s12;
	[sflag:s25] =	ssyncadd.s32 $0xFFFFF700  }
0x102: {  	[hbm4b:s16+s26] =	stream.strided.scatter [tilespmem:s14], [sflag:$0x2], $0x3200, s28, s26, $0x38;
	[tilespmem:$0x12C00] =	vst v63  }
0x103: {  	s16 =	sadd.s32 $0xFFFFF380, s12  }
0x104: {  	[hbm4b:s16+s26] =	stream.strided.scatter [tilespmem:s17], [sflag:$0x4], $0x3200, s28, s26, $0x38;
	[tilespmem:$0x12C00] =	vst v63  }
0x105: {  	_ =	swait.ge [sflag:s7], $0x3200  }
0x106: {  	[sflag:s7] =	ssyncset.done $0x0  }
0x107: {  	[sflag:s7] =	ssyncadd.s32 $0xFFFFCE00  }
0x108: {  	_ =	swait.ge [sflag:s9], $0x3200  }
0x109: {  	[sflag:s9] =	ssyncset.done $0x0  }
0x10a: {  	s16 =	sadd.s32 $0x4B0, s6;
	[sflag:s9] =	ssyncadd.s32 $0xFFFFCE00  }
0x10b: {  	[tilespmem:s30], [sflag:$0x1] =	stream.indirect.gather [hbm4b:s3+s13], $0x20, s16, s13, $0xb8;
	[tilespmem:$0x12C00] =	vst v63  }
0x10c: {  	s18 =	sadd.s32 $0x530, s6  }
0x10d: {  	[tilespmem:s8], [sflag:$0x1] =	stream.indirect.gather [hbm4b:s3+s15], $0x20, s18, s15, $0xb8;
	[tilespmem:$0x12C00] =	vst v63  }
0x10e: {  	_ = 	snop  }
0x10f: {  	[tilespmem:s1], [sflag:$0x1] =	stream.indirect.gather [hbm4b:s4+s13], $0x20, s16, s13, $0xb8;
	[tilespmem:$0x12C00] =	vst v63  }
0x110: {  	_ = 	snop  }
0x111: {  	[tilespmem:s10], [sflag:$0x1] =	stream.indirect.gather [hbm4b:s4+s15], $0x20, s18, s15, $0xb8;
	[tilespmem:$0x12C00] =	vst v63  }
0x112: {  	s16 =	sadd.s32 $0x578, s6  }
0x113: {  	[tilespmem:s19], [sflag:$0x1] =	stream.indirect.gather [hbm4b:s3+s13], $0x20, s16, s13, $0xb8;
	[tilespmem:$0x12C00] =	vst v63  }
0x114: {  	s6 =	sadd.s32 $0x5F8, s6  }
0x115: {  	[tilespmem:s21], [sflag:$0x1] =	stream.indirect.gather [hbm4b:s3+s15], $0x20, s6, s15, $0xb8;
	[tilespmem:$0x12C00] =	vst v63  }
0x116: {  	_ = 	snop  }
0x117: {  	[tilespmem:s20], [sflag:$0x1] =	stream.indirect.gather [hbm4b:s4+s13], $0x20, s16, s13, $0xb8;
	[tilespmem:$0x12C00] =	vst v63  }
0x118: {  	_ = 	snop  }
0x119: {  	[tilespmem:s0], [sflag:$0x1] =	stream.indirect.gather [hbm4b:s4+s15], $0x20, s6, s15, $0xb8;
	[tilespmem:$0x12C00] =	vst v63  }
0x11a: {  	_ =	swait.ge [sflag:s25], $0x1000  }
0x11b: {  	[sflag:s25] =	ssyncset.done $0x0  }
0x11c: {  	[sflag:s25] =	ssyncadd.s32 $0xFFFFF000  }
0x11d: {  	_ =	swait.ge [sflag:s25], $0x900  }
0x11e: {  	[sflag:s25] =	ssyncset.done $0x0  }
0x11f: {  	[sflag:s25] =	ssyncadd.s32 $0xFFFFF700  }
0x120: {  	_ =	swait.ge [sflag:s25], $0x1000  }
0x121: {  	[sflag:s25] =	ssyncset.done $0x0  }
0x122: {  	[sflag:s25] =	ssyncadd.s32 $0xFFFFF000  }
0x123: {  	_ =	swait.ge [sflag:s25], $0x900  }
0x124: {  	[sflag:s25] =	ssyncset.done $0x0  }
0x125: {  	[sflag:s25] =	ssyncadd.s32 $0xFFFFF700  }
0x126: {  	_ =	swait.ge [sflag:s25], $0x1000  }
0x127: {  	[sflag:s25] =	ssyncset.done $0x0  }
0x128: {  	[sflag:s25] =	ssyncadd.s32 $0xFFFFF000  }
0x129: {  	_ =	swait.ge [sflag:s25], $0x900  }
0x12a: {  	[sflag:s25] =	ssyncset.done $0x0  }
0x12b: {  	[sflag:s25] =	ssyncadd.s32 $0xFFFFF700  }
0x12c: {  	_ =	swait.ge [sflag:s25], $0x1000  }
0x12d: {  	[sflag:s25] =	ssyncset.done $0x0  }
0x12e: {  	[sflag:s25] =	ssyncadd.s32 $0xFFFFF000  }
.Ltmp0:
0x12f: {  	_ =	swait.ge [sflag:s25], $0x900;
	(pc) =	sbr.rel @p0 .LBB2_2-.Ltmp0, $4  }
0x130: {  	[sflag:s25] =	ssyncset.done $0x0  }
0x131: {  	s6 =	sadd.s32 $0xFFFFFFFC, s12;
	[sflag:s25] =	ssyncadd.s32 $0xFFFFF700  }
0x132: {  	[hbm4b:s6+s26] =	stream.strided.scatter [tilespmem:s30], [sflag:$0x3], $0x3200, s28, s26, $0x38;
	[tilespmem:$0x12C00] =	vst v63  }
0x133: {  	s12 =	sadd.s32 $0x1900, s12  }
0x134: {  	[hbm4b:s11+s26] =	stream.strided.scatter [tilespmem:s1], [sflag:$0x5], $0x3200, s28, s26, $0x38;
	[tilespmem:$0x12C00] =	vst v63  }
0x135: {  	_ =	swait.ge [sflag:s29], $0x3200  }
0x136: {  	[sflag:s29] =	ssyncset.done $0x0  }
0x137: {  	[sflag:s29] =	ssyncadd.s32 $0xFFFFCE00  }
0x138: {  	_ =	swait.ge [sflag:s31], $0x3200  }
0x139: {  	[sflag:s31] =	ssyncset.done $0x0  }
0x13a: {  	[sflag:s31] =	ssyncadd.s32 $0xFFFFCE00  }
0x13b: {  	_ =	swait.ge [sflag:s7], $0x3200  }
0x13c: {  	[sflag:s7] =	ssyncset.done $0x0  }
0x13d: {  	[sflag:s7] =	ssyncadd.s32 $0xFFFFCE00  }
0x13e: {  	_ =	swait.ge [sflag:s9], $0x3200  }
0x13f: {  	s6 =	rddreg [dreg:$0xa]  }
0x140: {  	s2 =	rddreg [dreg:$0x8];
	s6 =	sadd.s32 $0x1, s6  }
0x141: {  	p0 =	sne.s32 s6, s2  }
.Ltmp1:
0x142: {  	s11 =	simm.s32 $0x7400;
	s12 =	simm.s32 $0xA600;
	(pc) =	sbr.rel @p0 .LBB2_1-.Ltmp1, $4  }
0x143: {  	s16 =	simm.s32 $0x7D00;
	s18 =	simm.s32 $0x8D00;
	s0 =	simm.s32 $0xAF00  }
0x144: {  	s5 =	simm.s32 $0xBF00;
	s8 =	simm.s32 $0xD800;
	s10 =	simm.s32 $0x10A00  }
0x145: {  	s19 =	simm.s32 $0xE100;
	s21 =	simm.s32 $0xF100;
	[sflag:s9] =	ssyncset.done $0x0  }
0x146: {  	s20 =	simm.s32 $0x11300;
	s22 =	simm.s32 $0x12300;
	[sflag:s9] =	ssyncadd.s32 $0xFFFFCE00  }
0x147: {  	_ =	sfence.sel $0x180000  }
0x148: {  	[bflag:$0x0] =	sbarrier.arrive $0xFFFF  }
0x149: {  	_ =	strace $0x90000047  }
0x14a: {  	s0 =	stileid.u32;
	[bflag:$0x2] =	sbarrier.arrive $0xFFFF  }
0x14b: {  	p0 =	sne.s32 s0, $0x0;
	s0 =	rddreg [dreg:$0x2]  }
0x14c: {  	s0 =	sadd.s32 @!p0 $0x100000, s0  }
0x14d: {  	[sflag:s0] =	ssyncadd.tile.s32 @!p0 $0x1;
	_ =	shalt  }
.Lfunc_end2:
_tile_overlayer_lowered:
.L_overlay_start_2:
0x14e: {  	(tag) =	ssettag $0x2  }
0x14f: {  	s0 =	rddreg [dreg:$0x0];
	s2 =	stileid.u32  }
0x150: {  	s1 =	rddreg [dreg:$0x1];
	p0 =	sne.s32 s2, $0x0  }
0x151: {  	s3 =	rddreg [dreg:$0x2];
	[bflag:$0x3] =	sbarrier.arrive $0xFFFF;
	s2 =	simm.s32 @!p0 $0x1C06  }
0x152: {  	[timem:s3], [sflag:s2] =	dma.local @!p0 [hbm:s0], s1  }
0x153: {  	s0 =	simm.s32 @!p0 $0x6  }
0x154: {  	_ =	swait.ge @!p0 [sflag:s0], s1  }
0x155: {  	s1 =	ssub.s32 @!p0 $0x0, s1;
	[sflag:s0] =	ssyncset.done @!p0 $0x0  }
0x156: {  	[sflag:s0] =	ssyncadd.s32 @!p0 s1  }
0x157: {  	[bflag:$0x3] =	sbarrier.arrive $0xFFFF  }
0x158: {  	_ =	shalt  }

// kernel: sparse-core-data-format-call.cloned.1.call-start
scs
called_computation_lowered:
.L_overlay_start_0:
0x0: {  	s2 =	sld [smem:$0x3FD9]  }
0x1: {  	s3 =	sld [smem:$0x3FFE];
	_ =	sdelay $0x1  }
0x2: {  	s1 =	srdreg.scid  }
0x3: {  	s0 =	sand.u32 $0x1, s1  }
0x4: {  	s18 =	sshll.u32 s0, $0xA;
	s2 =	sadd.s32 s3, s2  }
0x5: {  	s2 =	sadd.s32 s2, s18  }
0x6: {  	[smem:$0x3FC6] =	sst s2  }
0x7: {  	_ = 	snop  }
0x8: {  	s2 =	sld [smem:$0x3FD0];
	(tm) =	ssettm $0x1  }
0x9: {  	s19 =	sld [smem:$0x3FFB];
	_ =	sdelay $0x3  }
0xa: {  	_ =	strace s19  }
0xb: {  	s3 =	sld [smem:$0x3FFC];
	_ =	sdelay $0x3  }
0xc: {  	_ =	strace s3  }
0xd: {  	s3 =	sld [smem:$0x3FFD];
	_ =	sdelay $0x3  }
0xe: {  	_ =	strace s3  }
0xf: {  	_ =	strace $0x8FFFFFFF  }
0x10: {  	s20 =	sld [smem:$0x3FDB];
	_ =	sdelay $0x1  }
0x11: {  	s4 =	simm.s32 $_scs_section_size  }
0x12: {  	s5 =	simm.s32 $_size__tile_overlayer_lowered;
	s6 =	simm.s32 $_tile_overlayer_lowered  }
0x13: {  	s23 =	simm.s32 $0x1BFF;
	s22 =	sshll.u32 s6, $0x1;
	s3 =	sadd.s32 s4, s20  }
0x14: {  	s7 =	simm.s32 $0x0;
	s21 =	sshll.u32 s5, $0x1;
	s5 =	sadd.s32 s22, s3  }
0x15: {  	[timem:s7], [sflag:s23] =	dma.local [hbm:s5], s21  }
0x16: {  	_ =	swait.ge [sflag:s23], s21  }
0x17: {  	s4 =	ssub.s32 $0x0, s21;
	[sflag:s23] =	ssyncset.done $0x0  }
0x18: {  	[sflag:s23] =	ssyncadd.s32 s4;
	_ =	sdelay $0x1  }
0x19: {  	s24 =	simm.s32 $0x1B8B  }
0x1a: {  	_ =	swait.ge [sflag:s24], $0x1  }
0x1b: {  	[sflag:s24] =	ssyncset.done $0x0  }
0x1c: {  	s26 =	simm.s32 $0x1B8E;
	s25 =	sld [smem:$0x3FFE];
	[sflag:s24] =	ssyncadd.s32 $0xFFFFFFFF  }
0x1d: {  	s27 =	simm.s32 $execute0_lowered;
	[smem:$0x3FD2] =	sst s26  }
0x1e: {  	s5 =	sshll.u32 s27, $0x1;
	_ =	strace $0x80000049;
	[dreg:$0x1] =	wrdreg $0xFFFFFFFF  }
0x1f: {  	s28 =	simm.s32 $_size_execute0_lowered;
	s3 =	sadd.s32 s3, s5;
	[dreg:$0x0] =	wrdreg $0x0  }
0x20: {  	s5 =	sshll.u32 s28, $0x1;
	[dreg:$0x2] =	wrdreg s3  }
0x21: {  	[dreg:$0x3] =	wrdreg s5  }
0x22: {  	[dreg:$0x4] =	wrdreg $0xC0  }
0x23: {  	_ =	task [dreg:s7], $0x5FFFF  }
0x24: {  	[dreg:$0x1] =	wrdreg $0xFFFFFFFF  }
0x25: {  	[dreg:$0x0] =	wrdreg $0x60  }
0x26: {  	[dreg:$0x2] =	wrdreg s25  }
0x27: {  	[dreg:$0x3] =	wrdreg s2  }
0x28: {  	[dreg:$0x4] =	wrdreg $0x9  }
0x29: {  	_ =	task.clear_ibuf [dreg:s7], $0x5FFFF;
	_ =	strace $0x90000049  }
0x2a: {  	s29 =	simm.s32 $0x9;
	_ =	strace $0x8000004B  }
0x2b: {  	_ =	swait.ge [sflag:s29], $0x1  }
0x2c: {  	[sflag:s29] =	ssyncadd.s32 $0xFFFFFFFF  }
0x2d: {  	_ =	strace $0x9000004B  }
0x2e: {  	_ =	sfence  }
0x2f: {  	s30 =	sld [smem:$0x0];
	_ =	sdelay $0x2  }
0x30: {  	s31 =	sshll.u32 s1, $0xD;
	s1 =	sshrl.u32 s1, $0x2  }
0x31: {  	s3 =	sand.u32 $0x4000, s31;
	s1 =	sadd.s32 s1, s30  }
0x32: {  	s0 =	sor.u32 s3, s0;
	s1 =	sshll.u32 s1, $0x11  }
0x33: {  	s0 =	sor.u32 s1, s0  }
0x34: {  	s0 =	sadd.s32 $0x8F2B, s0  }
0x35: {  	[sflag:s0] =	ssyncadd.remote.s32 $0x1  }
0x36: {  	_ =	sfence.sel $0xFFFF  }
0x37: {  	[dreg:$0x0] =	wrdreg $0xFFFFFFFF;
	(pc) =	sbr.abs _section_cstart, $3  }
0x38: {  	[dreg:$0x1] =	wrdreg $0xFFFFFFFF  }
0x39: {  	_ =	task.clear_ibuf [dreg:s7], $0x2FFFF;
	_ =	strace $0x9FFFFFFF  }
0x3a: {  	(tm) =	ssettm $0x7FFFFFFF  }
0x3b: {  	_ =	shalt  }
tec
execute0_lowered:
.L_overlay_start_1:
0x0: {  	(tag) =	ssettag $0x1  }
0x1: {  	s0 =	srdreg.scid  }
0x2: {  	s1 =	sshll.u32 s0, $0x4  }
0x3: {  	s0 =	stileid.u32;
	s1 =	sand.u32 $0x10, s1  }
0x4: {  	s1 =	sor.u32 s0, s1  }
0x5: {  	s6 =	rddreg [dreg:$0x0];
	s4 =	simm.s32 $0x1;
	s2 =	sshll.u32 s1, $0x7  }
0x6: {  	s7 =	simm.s32 $0x2;
	s12 =	simm.s32 $0x0;
	s1 =	ssub.s32 $0x1000, s2  }
0x7: {  	s8 =	simm.s32 $0x8000;
	s13 =	simm.s32 $0x0;
	s3 =	sand.u32 $0xF80, s1  }
0x8: {  	s9 =	simm.s32 $0x0;
	s5 =	sshrl.u32 s1, $0xC;
	p0 =	sne.s32 s3, $0x0  }
.Ltmp0:
0x9: {  	s1 =	rddreg [dreg:$0x2];
	s4 =	simm.s32 @!p0 $0x0;
	(pc) =	sbr.rel .LBB1_1-.Ltmp0, $4  }
0xa: {  	s11 =	simm.s32 $0x0;
	s3 =	rddreg [dreg:$0x1];
	s5 =	sadd.s32 s4, s5  }
0xb: {  	_ =	strace $0x8000004A;
	s4 =	simm.s32 $0x1;
	s5 =	smul.u32 $0xC8, s5  }
0xc: {  	s6 =	sadd.s32 $0xC00, s6;
	s10 =	smov.u32 s2;
	[sflag:s4] =	ssyncpa.u1 $0x0  }
0xd: {  	p0 =	por $0x0, $0x0;
	[sflag:s7] =	ssyncpa.u1 $0x0;
	s7 =	sor.u32 $0x1, s5  }
.LBB1_4:
0xe: {  	s16 =	sshll.u32 s13, $0x3;
	s17 =	sand.u32 $0x78, s13  }
0xf: {  	s30 =	sand.u32 $0x7E00, s13;
	s12 =	sshll.u32 s12, $0xF;
	s16 =	sand.u32 $0xC00, s16  }
0x10: {  	[tilespmem:s15+$0x810 ss:$0x81] =	vst.msk $0xffff, v2;
	s31 =	sand.u32 $0x7, s13;
	s16 =	sor.u32 s17, s16;
	s17 =	sadd.s32 s3, s30  }
0x11: {  	[tilespmem:s15+$0x1020 ss:$0x81] =	vst.msk $0xffff, v0;
	s13 =	sshll.u32 s31, $0x12;
	s12 =	sadd.s32 s12, s17;
	s16 =	sshrl.u32 s16, $0x3  }
0x12: {  	[tilespmem:s15+$0x0 ss:$0x81] =	vst.msk $0xffff, v1;
	s13 =	sor.u32 $0x400, s13;
	s12 =	sadd.s32 s16, s12  }
0x13: {  	[hbm4b:s12+s13] =	stream.strided.scatter [tilespmem:s14], [sflag:$0x2], $0x2000, s8, s13, $0x20;
	[tilespmem:$0x8080] =	vst v63  }
.LBB1_5:
0x14: {  	s14 =	sadd.s32 $0x1, s9  }
0x15: {  	s12 =	sadd.s32 $0x1000, s10;
	s16 =	smov.u32 s10;
	p2 =	sgt.s32 s14, $0xC7  }
0x16: {  	s16 =	smov.u32 @p2 s12  }
0x17: {  	s14 =	simm.s32 @p2 $0x0;
	p2 =	sgt.s32 s16, $0xFFF  }
0x18: {  	s16 =	smov.u32 @p2 s2;
	p2 =	sne.s32 s11, s7  }
.Ltmp1:
0x19: {  	p1 =	slt.u32 s11, $0x2;
	(pc) =	sbr.rel @!p2 .LBB1_6-.Ltmp1, $4  }
0x1a: {  	s15 =	simm.s32 @!p1 $0x2  }
0x1b: {  	s13 =	smov.u32 s10;
	p0 =	por !p0, !p0;
	_ =	swait.ge @!p1 [sflag:s15], $0x2000  }
0x1c: {  	s12 =	smov.u32 s9;
	[sflag:s15] =	ssyncset.done @!p1 $0x0;
	s9 =	smov.u32 s14  }
0x1d: {  	s11 =	sadd.s32 $0x1, s11;
	[sflag:s15] =	ssyncadd.s32 @!p1 $0xFFFFE000;
	s10 =	smov.u32 s16  }
.LBB1_1:
0x1e: {  	p1 =	sge.u32 s11, s5  }
0x1f: {  	s14 =	sand.u32 @!p1 $0x1FFFFFF, s9  }
0x20: {  	s15 =	smulhi.u32 @!p1 $0x147AE15, s14;
	_ =	sdelay $0x1  }
0x21: {  	s15 =	smul.u32 @!p1 $0xC8, s15  }
0x22: {  	s16 =	sxor.u32 @!p1 $0xFFFFFFFF, s11;
	s17 =	smul.u32 @!p1 $0xC80, s10  }
0x23: {  	s31 =	sadd.s32 $0xFFFFFFFF, s11;
	s16 =	sshll.u32 @!p1 s16, $0xD;
	s14 =	ssub.s32 @!p1 s14, s15  }
0x24: {  	s15 =	sand.u32 @!p1 $0x2000, s16;
	s16 =	sadd.s32 @!p1 s6, s17;
	s14 =	sshll.u32 @!p1 s14, $0x4  }
0x25: {  	s17 =	simm.s32 @!p1 $0x6400;
	s14 =	sadd.s32 @!p1 s14, s16;
	s16 =	simm.s32 @!p1 $0x40  }
0x26: {  	[tilespmem:s15], [sflag:$0x1] =	stream.strided.gather @!p1 [hbm4b:s14+s16], $0x2000, s17, s16, $0x38;
	[tilespmem:$0x8080] =	vst v63  }
0x27: {  	p1 =	sge.u32 s31, s5  }
.Ltmp2:
0x28: {  	_ = 	snop;
	(pc) =	sbr.rel @p1 .LBB1_5-.Ltmp2, $1  }
0x29: {  	_ =	sdelay $0x3  }
0x2a: {  	s14 =	simm.s32 $0x1  }
0x2b: {  	_ =	swait.ge [sflag:s4], $0x2000;
	s14 =	simm.s32 @!p0 $0x0  }
0x2c: {  	[sflag:s4] =	ssyncset.done $0x0;
	s15 =	sshll.u32 s14, $0xD  }
0x2d: {  	[sflag:s4] =	ssyncadd.s32 $0xFFFFE000;
	s18 =	sor.u32 $0x20, s15  }
0x2e: {  	s14 =	smul.u32 $0x8100, s14;
	v3 =	vld [tilespmem:s18+$0x10]  }
0x2f: {  	s30 =	sand.u32 $0x1, s11;
	v2 =	vld [tilespmem:s18+$0xFFFFFFF0]  }
0x30: {  	s15 =	smul.u32 $0x8100, s30;
	s14 =	sshrl.u32 s14, $0x2;
	v0 =	vld [tilespmem:s18+$0x0]  }
0x31: {  	v1 =	vld [tilespmem:s18+$0xFFFFFFE0];
	s16 =	sor.u32 $0x4000, s14  }
0x32: {  	s31 =	sshrl.u32 s15, $0x2;
	s15 =	sadd.s32 $0x0, s16  }
0x33: {  	s17 =	simm.s32 $0x4;
	s18 =	sadd.s32 $0x40, s18;
	s14 =	sor.u32 $0x4000, s31;
	[tilespmem:s15+$0x1830 ss:$0x81] =	vst.msk $0xffff, v3  }
.LBB1_3:
0x34: {  	v3 =	vld [tilespmem:s18+$0x10];
	p1 =	sne.s32 s17, $0x1FC;
	[tilespmem:s15+$0x810 ss:$0x81] =	vst.msk $0xffff, v2;
	s19 =	smov.u32 s17;
	s17 =	sadd.s32 $0x4, s17  }
.Ltmp3:
0x35: {  	v2 =	vld [tilespmem:s18+$0xFFFFFFF0];
	[tilespmem:s15+$0x1020 ss:$0x81] =	vst.msk $0xffff, v0;
	(pc) =	sbr.rel @p1 .LBB1_3-.Ltmp3, $4  }
0x36: {  	v0 =	vld [tilespmem:s18+$0x0];
	[tilespmem:s15+$0x0 ss:$0x81] =	vst.msk $0xffff, v1  }
0x37: {  	s15 =	sshra.s32 s19, $0x2;
	v1 =	vld [tilespmem:s18+$0xFFFFFFE0]  }
0x38: {  	s15 =	sadd.s32 s15, s16  }
0x39: {  	s18 =	sadd.s32 $0x40, s18;
	[tilespmem:s15+$0x1830 ss:$0x81] =	vst.msk $0xffff, v3  }
.Ltmp4:
0x3a: {  	_ = 	snop;
	(pc) =	sbr.rel .LBB1_4-.Ltmp4, $1  }
0x3b: {  	_ =	sdelay $0x3  }
.LBB1_6:
0x3c: {  	_ =	sfence.sel $0x180000  }
0x3d: {  	s2 =	simm.s32 $0x1;
	[bflag:$0x0] =	sbarrier.arrive $0xFFFF  }
0x3e: {  	s31 =	simm.s32 $0x2;
	[sflag:s2] =	ssyncpa.u1 $0x1  }
0x3f: {  	[sflag:s31] =	ssyncpa.u1 $0x1  }
0x40: {  	p0 =	sne.s32 s0, $0x0;
	_ =	strace $0x9000004A  }
0x41: {  	s0 =	sadd.s32 @!p0 $0x100000, s1;
	[bflag:$0x2] =	sbarrier.arrive $0xFFFF  }
0x42: {  	[sflag:s0] =	ssyncadd.tile.s32 @!p0 $0x1;
	_ =	shalt  }
.Lfunc_end1:
_tile_overlayer_lowered:
.L_overlay_start_2:
0x43: {  	(tag) =	ssettag $0x2  }
0x44: {  	s0 =	rddreg [dreg:$0x0];
	s2 =	stileid.u32  }
0x45: {  	s1 =	rddreg [dreg:$0x1];
	p0 =	sne.s32 s2, $0x0  }
0x46: {  	s3 =	rddreg [dreg:$0x2];
	[bflag:$0x3] =	sbarrier.arrive $0xFFFF;
	s2 =	simm.s32 @!p0 $0x1C01  }
0x47: {  	[timem:s3], [sflag:s2] =	dma.local @!p0 [hbm:s0], s1  }
0x48: {  	s0 =	simm.s32 @!p0 $0x1  }
0x49: {  	_ =	swait.ge @!p0 [sflag:s0], s1  }
0x4a: {  	s1 =	ssub.s32 @!p0 $0x0, s1;
	[sflag:s0] =	ssyncset.done @!p0 $0x0  }
0x4b: {  	[sflag:s0] =	ssyncadd.s32 @!p0 s1  }
0x4c: {  	[bflag:$0x3] =	sbarrier.arrive $0xFFFF  }
0x4d: {  	_ =	shalt  }

</sc_bundles>
